<compile_context>
chip_gen: v7x
topology: tpu7x:2x2x1
jax: 0.10.2.dev20260603
libtpu: 0.0.44.dev20260713+nightly
codegen_flags: <defaults>
</compile_context>

<pallas_src>
import functools

import jax
import jax.numpy as jnp
from jax import lax
from jax.experimental import pallas as pl
from jax.experimental.pallas import tpu as pltpu
from jax.experimental.pallas import tpu_sc as plsc

_B, _L, _D = 4096, 200, 64
_DP = 128
_N = _B * _L
_NC, _NS = 2, 16
_NW = _NC * _NS
_PER_W = _B // _NW
_IDX_W = _PER_W * _L
_NBUF = 4
_ROUNDS = _PER_W // _NBUF

_mesh = plsc.VectorSubcoreMesh(core_axis_name="c", subcore_axis_name="s")


@functools.partial(
    pl.kernel,
    out_type=jax.ShapeDtypeStruct((_B, _L, _DP), jnp.float32),
    mesh=_mesh,
    scratch_types=(
        [pltpu.VMEM((_IDX_W,), jnp.int32)]
        + [pltpu.VMEM((_L, _D), jnp.float32) for _ in range(_NBUF)]
        + [pltpu.SemaphoreType.DMA for _ in range(2 * _NBUF)]
    ),
    compiler_params=pltpu.CompilerParams(use_tc_tiling_on_sc=False),
)
def _gather_kernel(x_hbm, table_hbm, out_hbm, idx_v, *rest):
    bufs = rest[:_NBUF]
    gsem = rest[_NBUF:2 * _NBUF]
    wsem = rest[2 * _NBUF:]

    wid = lax.axis_index("s") * _NC + lax.axis_index("c")
    base = pl.multiple_of(wid * _PER_W, _PER_W)
    idx_base = pl.multiple_of(wid * _IDX_W, _IDX_W)
    pltpu.sync_copy(x_hbm.at[pl.ds(idx_base, _IDX_W)], idx_v)

    def gather(i, b):
        off = pl.multiple_of(i * _L, 8)
        return pltpu.make_async_copy(
            table_hbm.at[idx_v.at[pl.ds(off, _L)]], bufs[b], gsem[b])

    def write(i, b):
        return pltpu.make_async_copy(
            bufs[b], out_hbm.at[base + i, :, pl.ds(0, _D)], wsem[b])

    for b in range(_NBUF):
        gather(b, b).start()

    def round_body(r, carry):
        i0 = r * _NBUF
        for b in range(_NBUF):
            gather(i0 + b, b).wait()
            write(i0 + b, b).start()
        for b in range(_NBUF):
            write(i0 + b, b).wait()
            gather(i0 + _NBUF + b, b).start()
        return carry

    lax.fori_loop(0, _ROUNDS - 1, round_body, 0)

    i0 = (_ROUNDS - 1) * _NBUF
    for b in range(_NBUF):
        gather(i0 + b, b).wait()
        write(i0 + b, b).start()
    for b in range(_NBUF):
        write(i0 + b, b).wait()


def kernel(x, table):
    out = _gather_kernel(x.reshape(_N).astype(jnp.int32), table)
    return out[:, :, :_D]

# --- scband reference (transcript-rebuilt; emitter-appended) ---
"""Pipeline reference for scband-text-token-embedding-46608985096579 (READ-ONLY COPY).

The authoritative reference and input builder live on the scoring server;
editing this copy changes nothing except your own understanding.
"""

import jax, jax.numpy as jnp
import numpy as np

NUM_EMBEDDINGS = 100000
EMBEDDING_DIM = 64

def setup_inputs(seed: int = 0) -> dict:
    key = jax.random.key(seed)
    k_idx, k_tab = jax.random.split(key)
    x = jax.random.randint(k_idx, (4096, 200), 0, NUM_EMBEDDINGS, dtype=jnp.int64 if jax.config.jax_enable_x64 else jnp.int32)
    table = jax.random.normal(k_tab, (NUM_EMBEDDINGS, EMBEDDING_DIM), dtype=jnp.float32)
    return {"x": x, "table": table}

def reference(x, table):
    # nn.Embedding forward: table gather by token ids
    # x: [B, L] int -> out: [B, L, EMBEDDING_DIM]
    return jnp.take(table, x, axis=0)

if __name__ == "__main__":
    import jax
    _d = setup_inputs()
    print(jax.jit(kernel)(*tuple(_d.values())))

</pallas_src>

<mosaic_0001>
#map = affine_map<(d0, d1) -> (0)>
#map1 = affine_map<(d0, d1) -> (0, 0)>
#map2 = affine_map<(d0, d1) -> (0, 0, 0)>
module attributes {stable_mosaic.version = 14 : i64} {
  func.func @_gather_kernel(%arg0: i32, %arg1: i32, %arg2: memref<819200xi32, #tpu.memory_space<hbm>>, %arg3: memref<100000x64xf32, #tpu.memory_space<hbm>>, %arg4: memref<4096x200x128xf32, #tpu.memory_space<hbm>>, %arg5: memref<25600xi32, #tpu.memory_space<vmem>>, %arg6: memref<200x64xf32, #tpu.memory_space<vmem>>, %arg7: memref<200x64xf32, #tpu.memory_space<vmem>>, %arg8: memref<200x64xf32, #tpu.memory_space<vmem>>, %arg9: memref<200x64xf32, #tpu.memory_space<vmem>>, %arg10: memref<!tpu.dma_semaphore, #tpu.memory_space<semaphore_mem>>, %arg11: memref<!tpu.dma_semaphore, #tpu.memory_space<semaphore_mem>>, %arg12: memref<!tpu.dma_semaphore, #tpu.memory_space<semaphore_mem>>, %arg13: memref<!tpu.dma_semaphore, #tpu.memory_space<semaphore_mem>>, %arg14: memref<!tpu.dma_semaphore, #tpu.memory_space<semaphore_mem>>, %arg15: memref<!tpu.dma_semaphore, #tpu.memory_space<semaphore_mem>>, %arg16: memref<!tpu.dma_semaphore, #tpu.memory_space<semaphore_mem>>, %arg17: memref<!tpu.dma_semaphore, #tpu.memory_space<semaphore_mem>>) attributes {dimension_semantics = [#tpu.dimension_semantics<core_parallel>, #tpu.dimension_semantics<subcore_parallel>], iteration_bounds = array<i64: 2, 16>, scalar_prefetch = 0 : i64, scratch_operands = 13 : i64, tpu.core_type = #tpu.core_type<sc_vector_subcore>, window_params = [{transform_indices = #map}, {transform_indices = #map1}, {transform_indices = #map2}]} {
    %mul3A = arith.constant 2 : i32
    %mul3A_0 = arith.muli %arg1, %mul3A : i32
    %add3A = arith.addi %mul3A_0, %arg0 : i32
    %mul3A_1 = arith.constant 128 : i32
    %mul3A_2 = arith.muli %add3A, %mul3A_1 : i32
    %multiple_of3A = tpu.assume_multiple %mul3A_2, 128 : i32
    %mul3A_3 = arith.constant 25600 : i32
    %mul3A_4 = arith.muli %add3A, %mul3A_3 : i32
    %multiple_of3A_5 = tpu.assume_multiple %mul3A_4, 25600 : i32
    "tpu.region"() ({
      %run_scoped3A = tpu.sem_alloc : memref<!tpu.dma_semaphore, #tpu.memory_space<semaphore_mem>>
      %dma_start3A_137 = tpu.memref_slice %arg2[%multiple_of3A_5] : memref<819200xi32, #tpu.memory_space<hbm>> -> memref<25600xi32, #tpu.memory_space<hbm>>
      %dma_start3A_138 = tpu.memref_slice %arg2[%multiple_of3A_5] : memref<819200xi32, #tpu.memory_space<hbm>> -> memref<25600xi32, #tpu.memory_space<hbm>>
      tpu.enqueue_dma source(%dma_start3A_138 : memref<25600xi32, #tpu.memory_space<hbm>>) target(%arg5 : memref<25600xi32, #tpu.memory_space<vmem>>) target_semaphore(%run_scoped3A : memref<!tpu.dma_semaphore, #tpu.memory_space<semaphore_mem>>)
      %dma_wait3A_139 = tpu.memref_slice %arg2[%multiple_of3A_5] : memref<819200xi32, #tpu.memory_space<hbm>> -> memref<25600xi32, #tpu.memory_space<hbm>>
      %dma_wait3A_140 = tpu.memref_slice %arg2[%multiple_of3A_5] : memref<819200xi32, #tpu.memory_space<hbm>> -> memref<25600xi32, #tpu.memory_space<hbm>>
      tpu.wait_dma2 semaphore(%run_scoped3A : memref<!tpu.dma_semaphore, #tpu.memory_space<semaphore_mem>>) src(%dma_wait3A_140 : memref<25600xi32, #tpu.memory_space<hbm>>) dst(%arg5 : memref<25600xi32, #tpu.memory_space<vmem>>)
      tpu.yield
    }) : () -> ()
    %multiple_of3A_6 = arith.constant 0 : i32
    %multiple_of3A_7 = tpu.assume_multiple %multiple_of3A_6, 8 : i32
    %dma_start3A = tpu.memref_slice %arg5[%multiple_of3A_7] : memref<25600xi32, #tpu.memory_space<vmem>> -> memref<200xi32, #tpu.memory_space<vmem>>
    %dma_start3A_8 = arith.constant 0 : i32
    %dma_start3A_9 = arith.constant 0 : i32
    %dma_start3A_10 = tpu.memref_slice %arg3[%dma_start3A_8, %dma_start3A_9] : memref<100000x64xf32, #tpu.memory_space<hbm>> -> memref<100000x64xf32, #tpu.memory_space<hbm>>
    tpu.enqueue_indirect_dma source(%dma_start3A_10 : memref<100000x64xf32, #tpu.memory_space<hbm>>) target(%arg6 : memref<200x64xf32, #tpu.memory_space<vmem>>) offsets(%dma_start3A : memref<200xi32, #tpu.memory_space<vmem>>) semaphore(%arg10 : memref<!tpu.dma_semaphore, #tpu.memory_space<semaphore_mem>>)
    %multiple_of3A_11 = arith.constant 200 : i32
    %multiple_of3A_12 = tpu.assume_multiple %multiple_of3A_11, 8 : i32
    %dma_start3A_13 = tpu.memref_slice %arg5[%multiple_of3A_12] : memref<25600xi32, #tpu.memory_space<vmem>> -> memref<200xi32, #tpu.memory_space<vmem>>
    %dma_start3A_14 = arith.constant 0 : i32
    %dma_start3A_15 = arith.constant 0 : i32
    %dma_start3A_16 = tpu.memref_slice %arg3[%dma_start3A_14, %dma_start3A_15] : memref<100000x64xf32, #tpu.memory_space<hbm>> -> memref<100000x64xf32, #tpu.memory_space<hbm>>
    tpu.enqueue_indirect_dma source(%dma_start3A_16 : memref<100000x64xf32, #tpu.memory_space<hbm>>) target(%arg7 : memref<200x64xf32, #tpu.memory_space<vmem>>) offsets(%dma_start3A_13 : memref<200xi32, #tpu.memory_space<vmem>>) semaphore(%arg11 : memref<!tpu.dma_semaphore, #tpu.memory_space<semaphore_mem>>)
    %multiple_of3A_17 = arith.constant 400 : i32
    %multiple_of3A_18 = tpu.assume_multiple %multiple_of3A_17, 8 : i32
    %dma_start3A_19 = tpu.memref_slice %arg5[%multiple_of3A_18] : memref<25600xi32, #tpu.memory_space<vmem>> -> memref<200xi32, #tpu.memory_space<vmem>>
    %dma_start3A_20 = arith.constant 0 : i32
    %dma_start3A_21 = arith.constant 0 : i32
    %dma_start3A_22 = tpu.memref_slice %arg3[%dma_start3A_20, %dma_start3A_21] : memref<100000x64xf32, #tpu.memory_space<hbm>> -> memref<100000x64xf32, #tpu.memory_space<hbm>>
    tpu.enqueue_indirect_dma source(%dma_start3A_22 : memref<100000x64xf32, #tpu.memory_space<hbm>>) target(%arg8 : memref<200x64xf32, #tpu.memory_space<vmem>>) offsets(%dma_start3A_19 : memref<200xi32, #tpu.memory_space<vmem>>) semaphore(%arg12 : memref<!tpu.dma_semaphore, #tpu.memory_space<semaphore_mem>>)
    %multiple_of3A_23 = arith.constant 600 : i32
    %multiple_of3A_24 = tpu.assume_multiple %multiple_of3A_23, 8 : i32
    %dma_start3A_25 = tpu.memref_slice %arg5[%multiple_of3A_24] : memref<25600xi32, #tpu.memory_space<vmem>> -> memref<200xi32, #tpu.memory_space<vmem>>
    %dma_start3A_26 = arith.constant 0 : i32
    %dma_start3A_27 = arith.constant 0 : i32
    %dma_start3A_28 = tpu.memref_slice %arg3[%dma_start3A_26, %dma_start3A_27] : memref<100000x64xf32, #tpu.memory_space<hbm>> -> memref<100000x64xf32, #tpu.memory_space<hbm>>
    tpu.enqueue_indirect_dma source(%dma_start3A_28 : memref<100000x64xf32, #tpu.memory_space<hbm>>) target(%arg9 : memref<200x64xf32, #tpu.memory_space<vmem>>) offsets(%dma_start3A_25 : memref<200xi32, #tpu.memory_space<vmem>>) semaphore(%arg13 : memref<!tpu.dma_semaphore, #tpu.memory_space<semaphore_mem>>)
    %scan3A = arith.constant 0 : i32
    %scan3A_29 = arith.constant 0 : i32
    %scan3A_30 = arith.constant 31 : i32
    %scan3A_31 = arith.addi %scan3A_29, %scan3A_30 : i32
    %scan3A_32 = arith.constant 1 : i32
    scf.for %scan3A_137 = %scan3A_29 to %scan3A_31 step %scan3A_32  : i32 {
      %mul3A_138 = arith.constant 4 : i32
      %mul3A_139 = arith.muli %scan3A_137, %mul3A_138 : i32
      %add3A_140 = arith.constant 0 : i32
      %add3A_141 = arith.addi %mul3A_139, %add3A_140 : i32
      %mul3A_142 = arith.constant 200 : i32
      %mul3A_143 = arith.muli %add3A_141, %mul3A_142 : i32
      %multiple_of3A_144 = tpu.assume_multiple %mul3A_143, 8 : i32
      %dma_wait3A_145 = tpu.memref_slice %arg5[%multiple_of3A_144] : memref<25600xi32, #tpu.memory_space<vmem>> -> memref<200xi32, #tpu.memory_space<vmem>>
      %dma_wait3A_146 = arith.constant 0 : i32
      %dma_wait3A_147 = arith.constant 0 : i32
      %dma_wait3A_148 = tpu.memref_slice %arg3[%dma_wait3A_146, %dma_wait3A_147] : memref<100000x64xf32, #tpu.memory_space<hbm>> -> memref<100000x64xf32, #tpu.memory_space<hbm>>
      tpu.wait_indirect_dma semaphore(%arg10 : memref<!tpu.dma_semaphore, #tpu.memory_space<semaphore_mem>>) src(%dma_wait3A_148 : memref<100000x64xf32, #tpu.memory_space<hbm>>) dst(%arg6 : memref<200x64xf32, #tpu.memory_space<vmem>>)
      %add3A_149 = arith.constant 0 : i32
      %add3A_150 = arith.addi %mul3A_139, %add3A_149 : i32
      %add3A_151 = arith.addi %multiple_of3A, %add3A_150 : i32
      %dma_start3A_152 = arith.constant 0 : i32
      %dma_start3A_153 = arith.constant 0 : i32
      %dma_start3A_154 = tpu.memref_slice %arg4[%add3A_151, %dma_start3A_152, %dma_start3A_153] : memref<4096x200x128xf32, #tpu.memory_space<hbm>> -> memref<1x200x64xf32, #tpu.memory_space<hbm>>
      %dma_start3A_155 = tpu.memref_squeeze %dma_start3A_154 : memref<1x200x64xf32, #tpu.memory_space<hbm>> -> memref<200x64xf32, #tpu.memory_space<hbm>>
      %dma_start3A_156 = arith.constant 0 : i32
      %dma_start3A_157 = arith.constant 0 : i32
      %dma_start3A_158 = tpu.memref_slice %arg4[%add3A_151, %dma_start3A_156, %dma_start3A_157] : memref<4096x200x128xf32, #tpu.memory_space<hbm>> -> memref<1x200x64xf32, #tpu.memory_space<hbm>>
      %dma_start3A_159 = tpu.memref_squeeze %dma_start3A_158 : memref<1x200x64xf32, #tpu.memory_space<hbm>> -> memref<200x64xf32, #tpu.memory_space<hbm>>
      tpu.enqueue_dma source(%arg6 : memref<200x64xf32, #tpu.memory_space<vmem>>) target(%dma_start3A_159 : memref<200x64xf32, #tpu.memory_space<hbm>>) target_semaphore(%arg14 : memref<!tpu.dma_semaphore, #tpu.memory_space<semaphore_mem>>)
      %add3A_160 = arith.constant 1 : i32
      %add3A_161 = arith.addi %mul3A_139, %add3A_160 : i32
      %mul3A_162 = arith.constant 200 : i32
      %mul3A_163 = arith.muli %add3A_161, %mul3A_162 : i32
      %multiple_of3A_164 = tpu.assume_multiple %mul3A_163, 8 : i32
      %dma_wait3A_165 = tpu.memref_slice %arg5[%multiple_of3A_164] : memref<25600xi32, #tpu.memory_space<vmem>> -> memref<200xi32, #tpu.memory_space<vmem>>
      %dma_wait3A_166 = arith.constant 0 : i32
      %dma_wait3A_167 = arith.constant 0 : i32
      %dma_wait3A_168 = tpu.memref_slice %arg3[%dma_wait3A_166, %dma_wait3A_167] : memref<100000x64xf32, #tpu.memory_space<hbm>> -> memref<100000x64xf32, #tpu.memory_space<hbm>>
      tpu.wait_indirect_dma semaphore(%arg11 : memref<!tpu.dma_semaphore, #tpu.memory_space<semaphore_mem>>) src(%dma_wait3A_168 : memref<100000x64xf32, #tpu.memory_space<hbm>>) dst(%arg7 : memref<200x64xf32, #tpu.memory_space<vmem>>)
      %add3A_169 = arith.constant 1 : i32
      %add3A_170 = arith.addi %mul3A_139, %add3A_169 : i32
      %add3A_171 = arith.addi %multiple_of3A, %add3A_170 : i32
      %dma_start3A_172 = arith.constant 0 : i32
      %dma_start3A_173 = arith.constant 0 : i32
      %dma_start3A_174 = tpu.memref_slice %arg4[%add3A_171, %dma_start3A_172, %dma_start3A_173] : memref<4096x200x128xf32, #tpu.memory_space<hbm>> -> memref<1x200x64xf32, #tpu.memory_space<hbm>>
      %dma_start3A_175 = tpu.memref_squeeze %dma_start3A_174 : memref<1x200x64xf32, #tpu.memory_space<hbm>> -> memref<200x64xf32, #tpu.memory_space<hbm>>
      %dma_start3A_176 = arith.constant 0 : i32
      %dma_start3A_177 = arith.constant 0 : i32
      %dma_start3A_178 = tpu.memref_slice %arg4[%add3A_171, %dma_start3A_176, %dma_start3A_177] : memref<4096x200x128xf32, #tpu.memory_space<hbm>> -> memref<1x200x64xf32, #tpu.memory_space<hbm>>
      %dma_start3A_179 = tpu.memref_squeeze %dma_start3A_178 : memref<1x200x64xf32, #tpu.memory_space<hbm>> -> memref<200x64xf32, #tpu.memory_space<hbm>>
      tpu.enqueue_dma source(%arg7 : memref<200x64xf32, #tpu.memory_space<vmem>>) target(%dma_start3A_179 : memref<200x64xf32, #tpu.memory_space<hbm>>) target_semaphore(%arg15 : memref<!tpu.dma_semaphore, #tpu.memory_space<semaphore_mem>>)
      %add3A_180 = arith.constant 2 : i32
      %add3A_181 = arith.addi %mul3A_139, %add3A_180 : i32
      %mul3A_182 = arith.constant 200 : i32
      %mul3A_183 = arith.muli %add3A_181, %mul3A_182 : i32
      %multiple_of3A_184 = tpu.assume_multiple %mul3A_183, 8 : i32
      %dma_wait3A_185 = tpu.memref_slice %arg5[%multiple_of3A_184] : memref<25600xi32, #tpu.memory_space<vmem>> -> memref<200xi32, #tpu.memory_space<vmem>>
      %dma_wait3A_186 = arith.constant 0 : i32
      %dma_wait3A_187 = arith.constant 0 : i32
      %dma_wait3A_188 = tpu.memref_slice %arg3[%dma_wait3A_186, %dma_wait3A_187] : memref<100000x64xf32, #tpu.memory_space<hbm>> -> memref<100000x64xf32, #tpu.memory_space<hbm>>
      tpu.wait_indirect_dma semaphore(%arg12 : memref<!tpu.dma_semaphore, #tpu.memory_space<semaphore_mem>>) src(%dma_wait3A_188 : memref<100000x64xf32, #tpu.memory_space<hbm>>) dst(%arg8 : memref<200x64xf32, #tpu.memory_space<vmem>>)
      %add3A_189 = arith.constant 2 : i32
      %add3A_190 = arith.addi %mul3A_139, %add3A_189 : i32
      %add3A_191 = arith.addi %multiple_of3A, %add3A_190 : i32
      %dma_start3A_192 = arith.constant 0 : i32
      %dma_start3A_193 = arith.constant 0 : i32
      %dma_start3A_194 = tpu.memref_slice %arg4[%add3A_191, %dma_start3A_192, %dma_start3A_193] : memref<4096x200x128xf32, #tpu.memory_space<hbm>> -> memref<1x200x64xf32, #tpu.memory_space<hbm>>
      %dma_start3A_195 = tpu.memref_squeeze %dma_start3A_194 : memref<1x200x64xf32, #tpu.memory_space<hbm>> -> memref<200x64xf32, #tpu.memory_space<hbm>>
      %dma_start3A_196 = arith.constant 0 : i32
      %dma_start3A_197 = arith.constant 0 : i32
      %dma_start3A_198 = tpu.memref_slice %arg4[%add3A_191, %dma_start3A_196, %dma_start3A_197] : memref<4096x200x128xf32, #tpu.memory_space<hbm>> -> memref<1x200x64xf32, #tpu.memory_space<hbm>>
      %dma_start3A_199 = tpu.memref_squeeze %dma_start3A_198 : memref<1x200x64xf32, #tpu.memory_space<hbm>> -> memref<200x64xf32, #tpu.memory_space<hbm>>
      tpu.enqueue_dma source(%arg8 : memref<200x64xf32, #tpu.memory_space<vmem>>) target(%dma_start3A_199 : memref<200x64xf32, #tpu.memory_space<hbm>>) target_semaphore(%arg16 : memref<!tpu.dma_semaphore, #tpu.memory_space<semaphore_mem>>)
      %add3A_200 = arith.constant 3 : i32
      %add3A_201 = arith.addi %mul3A_139, %add3A_200 : i32
      %mul3A_202 = arith.constant 200 : i32
      %mul3A_203 = arith.muli %add3A_201, %mul3A_202 : i32
      %multiple_of3A_204 = tpu.assume_multiple %mul3A_203, 8 : i32
      %dma_wait3A_205 = tpu.memref_slice %arg5[%multiple_of3A_204] : memref<25600xi32, #tpu.memory_space<vmem>> -> memref<200xi32, #tpu.memory_space<vmem>>
      %dma_wait3A_206 = arith.constant 0 : i32
      %dma_wait3A_207 = arith.constant 0 : i32
      %dma_wait3A_208 = tpu.memref_slice %arg3[%dma_wait3A_206, %dma_wait3A_207] : memref<100000x64xf32, #tpu.memory_space<hbm>> -> memref<100000x64xf32, #tpu.memory_space<hbm>>
      tpu.wait_indirect_dma semaphore(%arg13 : memref<!tpu.dma_semaphore, #tpu.memory_space<semaphore_mem>>) src(%dma_wait3A_208 : memref<100000x64xf32, #tpu.memory_space<hbm>>) dst(%arg9 : memref<200x64xf32, #tpu.memory_space<vmem>>)
      %add3A_209 = arith.constant 3 : i32
      %add3A_210 = arith.addi %mul3A_139, %add3A_209 : i32
      %add3A_211 = arith.addi %multiple_of3A, %add3A_210 : i32
      %dma_start3A_212 = arith.constant 0 : i32
      %dma_start3A_213 = arith.constant 0 : i32
      %dma_start3A_214 = tpu.memref_slice %arg4[%add3A_211, %dma_start3A_212, %dma_start3A_213] : memref<4096x200x128xf32, #tpu.memory_space<hbm>> -> memref<1x200x64xf32, #tpu.memory_space<hbm>>
      %dma_start3A_215 = tpu.memref_squeeze %dma_start3A_214 : memref<1x200x64xf32, #tpu.memory_space<hbm>> -> memref<200x64xf32, #tpu.memory_space<hbm>>
      %dma_start3A_216 = arith.constant 0 : i32
      %dma_start3A_217 = arith.constant 0 : i32
      %dma_start3A_218 = tpu.memref_slice %arg4[%add3A_211, %dma_start3A_216, %dma_start3A_217] : memref<4096x200x128xf32, #tpu.memory_space<hbm>> -> memref<1x200x64xf32, #tpu.memory_space<hbm>>
      %dma_start3A_219 = tpu.memref_squeeze %dma_start3A_218 : memref<1x200x64xf32, #tpu.memory_space<hbm>> -> memref<200x64xf32, #tpu.memory_space<hbm>>
      tpu.enqueue_dma source(%arg9 : memref<200x64xf32, #tpu.memory_space<vmem>>) target(%dma_start3A_219 : memref<200x64xf32, #tpu.memory_space<hbm>>) target_semaphore(%arg17 : memref<!tpu.dma_semaphore, #tpu.memory_space<semaphore_mem>>)
      %add3A_220 = arith.constant 0 : i32
      %add3A_221 = arith.addi %mul3A_139, %add3A_220 : i32
      %add3A_222 = arith.addi %multiple_of3A, %add3A_221 : i32
      %dma_wait3A_223 = arith.constant 0 : i32
      %dma_wait3A_224 = arith.constant 0 : i32
      %dma_wait3A_225 = tpu.memref_slice %arg4[%add3A_222, %dma_wait3A_223, %dma_wait3A_224] : memref<4096x200x128xf32, #tpu.memory_space<hbm>> -> memref<1x200x64xf32, #tpu.memory_space<hbm>>
      %dma_wait3A_226 = tpu.memref_squeeze %dma_wait3A_225 : memref<1x200x64xf32, #tpu.memory_space<hbm>> -> memref<200x64xf32, #tpu.memory_space<hbm>>
      %dma_wait3A_227 = arith.constant 0 : i32
      %dma_wait3A_228 = arith.constant 0 : i32
      %dma_wait3A_229 = tpu.memref_slice %arg4[%add3A_222, %dma_wait3A_227, %dma_wait3A_228] : memref<4096x200x128xf32, #tpu.memory_space<hbm>> -> memref<1x200x64xf32, #tpu.memory_space<hbm>>
      %dma_wait3A_230 = tpu.memref_squeeze %dma_wait3A_229 : memref<1x200x64xf32, #tpu.memory_space<hbm>> -> memref<200x64xf32, #tpu.memory_space<hbm>>
      tpu.wait_dma2 semaphore(%arg14 : memref<!tpu.dma_semaphore, #tpu.memory_space<semaphore_mem>>) src(%arg6 : memref<200x64xf32, #tpu.memory_space<vmem>>) dst(%dma_wait3A_230 : memref<200x64xf32, #tpu.memory_space<hbm>>)
      %add3A_231 = arith.constant 4 : i32
      %add3A_232 = arith.addi %mul3A_139, %add3A_231 : i32
      %add3A_233 = arith.constant 0 : i32
      %add3A_234 = arith.addi %add3A_232, %add3A_233 : i32
      %mul3A_235 = arith.constant 200 : i32
      %mul3A_236 = arith.muli %add3A_234, %mul3A_235 : i32
      %multiple_of3A_237 = tpu.assume_multiple %mul3A_236, 8 : i32
      %dma_start3A_238 = tpu.memref_slice %arg5[%multiple_of3A_237] : memref<25600xi32, #tpu.memory_space<vmem>> -> memref<200xi32, #tpu.memory_space<vmem>>
      %dma_start3A_239 = arith.constant 0 : i32
      %dma_start3A_240 = arith.constant 0 : i32
      %dma_start3A_241 = tpu.memref_slice %arg3[%dma_start3A_239, %dma_start3A_240] : memref<100000x64xf32, #tpu.memory_space<hbm>> -> memref<100000x64xf32, #tpu.memory_space<hbm>>
      tpu.enqueue_indirect_dma source(%dma_start3A_241 : memref<100000x64xf32, #tpu.memory_space<hbm>>) target(%arg6 : memref<200x64xf32, #tpu.memory_space<vmem>>) offsets(%dma_start3A_238 : memref<200xi32, #tpu.memory_space<vmem>>) semaphore(%arg10 : memref<!tpu.dma_semaphore, #tpu.memory_space<semaphore_mem>>)
      %add3A_242 = arith.constant 1 : i32
      %add3A_243 = arith.addi %mul3A_139, %add3A_242 : i32
      %add3A_244 = arith.addi %multiple_of3A, %add3A_243 : i32
      %dma_wait3A_245 = arith.constant 0 : i32
      %dma_wait3A_246 = arith.constant 0 : i32
      %dma_wait3A_247 = tpu.memref_slice %arg4[%add3A_244, %dma_wait3A_245, %dma_wait3A_246] : memref<4096x200x128xf32, #tpu.memory_space<hbm>> -> memref<1x200x64xf32, #tpu.memory_space<hbm>>
      %dma_wait3A_248 = tpu.memref_squeeze %dma_wait3A_247 : memref<1x200x64xf32, #tpu.memory_space<hbm>> -> memref<200x64xf32, #tpu.memory_space<hbm>>
      %dma_wait3A_249 = arith.constant 0 : i32
      %dma_wait3A_250 = arith.constant 0 : i32
      %dma_wait3A_251 = tpu.memref_slice %arg4[%add3A_244, %dma_wait3A_249, %dma_wait3A_250] : memref<4096x200x128xf32, #tpu.memory_space<hbm>> -> memref<1x200x64xf32, #tpu.memory_space<hbm>>
      %dma_wait3A_252 = tpu.memref_squeeze %dma_wait3A_251 : memref<1x200x64xf32, #tpu.memory_space<hbm>> -> memref<200x64xf32, #tpu.memory_space<hbm>>
      tpu.wait_dma2 semaphore(%arg15 : memref<!tpu.dma_semaphore, #tpu.memory_space<semaphore_mem>>) src(%arg7 : memref<200x64xf32, #tpu.memory_space<vmem>>) dst(%dma_wait3A_252 : memref<200x64xf32, #tpu.memory_space<hbm>>)
      %add3A_253 = arith.constant 4 : i32
      %add3A_254 = arith.addi %mul3A_139, %add3A_253 : i32
      %add3A_255 = arith.constant 1 : i32
      %add3A_256 = arith.addi %add3A_254, %add3A_255 : i32
      %mul3A_257 = arith.constant 200 : i32
      %mul3A_258 = arith.muli %add3A_256, %mul3A_257 : i32
      %multiple_of3A_259 = tpu.assume_multiple %mul3A_258, 8 : i32
      %dma_start3A_260 = tpu.memref_slice %arg5[%multiple_of3A_259] : memref<25600xi32, #tpu.memory_space<vmem>> -> memref<200xi32, #tpu.memory_space<vmem>>
      %dma_start3A_261 = arith.constant 0 : i32
      %dma_start3A_262 = arith.constant 0 : i32
      %dma_start3A_263 = tpu.memref_slice %arg3[%dma_start3A_261, %dma_start3A_262] : memref<100000x64xf32, #tpu.memory_space<hbm>> -> memref<100000x64xf32, #tpu.memory_space<hbm>>
      tpu.enqueue_indirect_dma source(%dma_start3A_263 : memref<100000x64xf32, #tpu.memory_space<hbm>>) target(%arg7 : memref<200x64xf32, #tpu.memory_space<vmem>>) offsets(%dma_start3A_260 : memref<200xi32, #tpu.memory_space<vmem>>) semaphore(%arg11 : memref<!tpu.dma_semaphore, #tpu.memory_space<semaphore_mem>>)
      %add3A_264 = arith.constant 2 : i32
      %add3A_265 = arith.addi %mul3A_139, %add3A_264 : i32
      %add3A_266 = arith.addi %multiple_of3A, %add3A_265 : i32
      %dma_wait3A_267 = arith.constant 0 : i32
      %dma_wait3A_268 = arith.constant 0 : i32
      %dma_wait3A_269 = tpu.memref_slice %arg4[%add3A_266, %dma_wait3A_267, %dma_wait3A_268] : memref<4096x200x128xf32, #tpu.memory_space<hbm>> -> memref<1x200x64xf32, #tpu.memory_space<hbm>>
      %dma_wait3A_270 = tpu.memref_squeeze %dma_wait3A_269 : memref<1x200x64xf32, #tpu.memory_space<hbm>> -> memref<200x64xf32, #tpu.memory_space<hbm>>
      %dma_wait3A_271 = arith.constant 0 : i32
      %dma_wait3A_272 = arith.constant 0 : i32
      %dma_wait3A_273 = tpu.memref_slice %arg4[%add3A_266, %dma_wait3A_271, %dma_wait3A_272] : memref<4096x200x128xf32, #tpu.memory_space<hbm>> -> memref<1x200x64xf32, #tpu.memory_space<hbm>>
      %dma_wait3A_274 = tpu.memref_squeeze %dma_wait3A_273 : memref<1x200x64xf32, #tpu.memory_space<hbm>> -> memref<200x64xf32, #tpu.memory_space<hbm>>
      tpu.wait_dma2 semaphore(%arg16 : memref<!tpu.dma_semaphore, #tpu.memory_space<semaphore_mem>>) src(%arg8 : memref<200x64xf32, #tpu.memory_space<vmem>>) dst(%dma_wait3A_274 : memref<200x64xf32, #tpu.memory_space<hbm>>)
      %add3A_275 = arith.constant 4 : i32
      %add3A_276 = arith.addi %mul3A_139, %add3A_275 : i32
      %add3A_277 = arith.constant 2 : i32
      %add3A_278 = arith.addi %add3A_276, %add3A_277 : i32
      %mul3A_279 = arith.constant 200 : i32
      %mul3A_280 = arith.muli %add3A_278, %mul3A_279 : i32
      %multiple_of3A_281 = tpu.assume_multiple %mul3A_280, 8 : i32
      %dma_start3A_282 = tpu.memref_slice %arg5[%multiple_of3A_281] : memref<25600xi32, #tpu.memory_space<vmem>> -> memref<200xi32, #tpu.memory_space<vmem>>
      %dma_start3A_283 = arith.constant 0 : i32
      %dma_start3A_284 = arith.constant 0 : i32
      %dma_start3A_285 = tpu.memref_slice %arg3[%dma_start3A_283, %dma_start3A_284] : memref<100000x64xf32, #tpu.memory_space<hbm>> -> memref<100000x64xf32, #tpu.memory_space<hbm>>
      tpu.enqueue_indirect_dma source(%dma_start3A_285 : memref<100000x64xf32, #tpu.memory_space<hbm>>) target(%arg8 : memref<200x64xf32, #tpu.memory_space<vmem>>) offsets(%dma_start3A_282 : memref<200xi32, #tpu.memory_space<vmem>>) semaphore(%arg12 : memref<!tpu.dma_semaphore, #tpu.memory_space<semaphore_mem>>)
      %add3A_286 = arith.constant 3 : i32
      %add3A_287 = arith.addi %mul3A_139, %add3A_286 : i32
      %add3A_288 = arith.addi %multiple_of3A, %add3A_287 : i32
      %dma_wait3A_289 = arith.constant 0 : i32
      %dma_wait3A_290 = arith.constant 0 : i32
      %dma_wait3A_291 = tpu.memref_slice %arg4[%add3A_288, %dma_wait3A_289, %dma_wait3A_290] : memref<4096x200x128xf32, #tpu.memory_space<hbm>> -> memref<1x200x64xf32, #tpu.memory_space<hbm>>
      %dma_wait3A_292 = tpu.memref_squeeze %dma_wait3A_291 : memref<1x200x64xf32, #tpu.memory_space<hbm>> -> memref<200x64xf32, #tpu.memory_space<hbm>>
      %dma_wait3A_293 = arith.constant 0 : i32
      %dma_wait3A_294 = arith.constant 0 : i32
      %dma_wait3A_295 = tpu.memref_slice %arg4[%add3A_288, %dma_wait3A_293, %dma_wait3A_294] : memref<4096x200x128xf32, #tpu.memory_space<hbm>> -> memref<1x200x64xf32, #tpu.memory_space<hbm>>
      %dma_wait3A_296 = tpu.memref_squeeze %dma_wait3A_295 : memref<1x200x64xf32, #tpu.memory_space<hbm>> -> memref<200x64xf32, #tpu.memory_space<hbm>>
      tpu.wait_dma2 semaphore(%arg17 : memref<!tpu.dma_semaphore, #tpu.memory_space<semaphore_mem>>) src(%arg9 : memref<200x64xf32, #tpu.memory_space<vmem>>) dst(%dma_wait3A_296 : memref<200x64xf32, #tpu.memory_space<hbm>>)
      %add3A_297 = arith.constant 4 : i32
      %add3A_298 = arith.addi %mul3A_139, %add3A_297 : i32
      %add3A_299 = arith.constant 3 : i32
      %add3A_300 = arith.addi %add3A_298, %add3A_299 : i32
      %mul3A_301 = arith.constant 200 : i32
      %mul3A_302 = arith.muli %add3A_300, %mul3A_301 : i32
      %multiple_of3A_303 = tpu.assume_multiple %mul3A_302, 8 : i32
      %dma_start3A_304 = tpu.memref_slice %arg5[%multiple_of3A_303] : memref<25600xi32, #tpu.memory_space<vmem>> -> memref<200xi32, #tpu.memory_space<vmem>>
      %dma_start3A_305 = arith.constant 0 : i32
      %dma_start3A_306 = arith.constant 0 : i32
      %dma_start3A_307 = tpu.memref_slice %arg3[%dma_start3A_305, %dma_start3A_306] : memref<100000x64xf32, #tpu.memory_space<hbm>> -> memref<100000x64xf32, #tpu.memory_space<hbm>>
      tpu.enqueue_indirect_dma source(%dma_start3A_307 : memref<100000x64xf32, #tpu.memory_space<hbm>>) target(%arg9 : memref<200x64xf32, #tpu.memory_space<vmem>>) offsets(%dma_start3A_304 : memref<200xi32, #tpu.memory_space<vmem>>) semaphore(%arg13 : memref<!tpu.dma_semaphore, #tpu.memory_space<semaphore_mem>>)
    }
    %scan3A_33 = arith.constant 31 : i32
    %multiple_of3A_34 = arith.constant 24800 : i32
    %multiple_of3A_35 = tpu.assume_multiple %multiple_of3A_34, 8 : i32
    %dma_wait3A = tpu.memref_slice %arg5[%multiple_of3A_35] : memref<25600xi32, #tpu.memory_space<vmem>> -> memref<200xi32, #tpu.memory_space<vmem>>
    %dma_wait3A_36 = arith.constant 0 : i32
    %dma_wait3A_37 = arith.constant 0 : i32
    %dma_wait3A_38 = tpu.memref_slice %arg3[%dma_wait3A_36, %dma_wait3A_37] : memref<100000x64xf32, #tpu.memory_space<hbm>> -> memref<100000x64xf32, #tpu.memory_space<hbm>>
    tpu.wait_indirect_dma semaphore(%arg10 : memref<!tpu.dma_semaphore, #tpu.memory_space<semaphore_mem>>) src(%dma_wait3A_38 : memref<100000x64xf32, #tpu.memory_space<hbm>>) dst(%arg6 : memref<200x64xf32, #tpu.memory_space<vmem>>)
    %add3A_39 = arith.constant 124 : i32
    %add3A_40 = arith.addi %multiple_of3A, %add3A_39 : i32
    %dma_start3A_41 = arith.constant 0 : i32
    %dma_start3A_42 = arith.constant 0 : i32
    %dma_start3A_43 = tpu.memref_slice %arg4[%add3A_40, %dma_start3A_41, %dma_start3A_42] : memref<4096x200x128xf32, #tpu.memory_space<hbm>> -> memref<1x200x64xf32, #tpu.memory_space<hbm>>
    %dma_start3A_44 = tpu.memref_squeeze %dma_start3A_43 : memref<1x200x64xf32, #tpu.memory_space<hbm>> -> memref<200x64xf32, #tpu.memory_space<hbm>>
    %dma_start3A_45 = arith.constant 0 : i32
    %dma_start3A_46 = arith.constant 0 : i32
    %dma_start3A_47 = tpu.memref_slice %arg4[%add3A_40, %dma_start3A_45, %dma_start3A_46] : memref<4096x200x128xf32, #tpu.memory_space<hbm>> -> memref<1x200x64xf32, #tpu.memory_space<hbm>>
    %dma_start3A_48 = tpu.memref_squeeze %dma_start3A_47 : memref<1x200x64xf32, #tpu.memory_space<hbm>> -> memref<200x64xf32, #tpu.memory_space<hbm>>
    tpu.enqueue_dma source(%arg6 : memref<200x64xf32, #tpu.memory_space<vmem>>) target(%dma_start3A_48 : memref<200x64xf32, #tpu.memory_space<hbm>>) target_semaphore(%arg14 : memref<!tpu.dma_semaphore, #tpu.memory_space<semaphore_mem>>)
    %multiple_of3A_49 = arith.constant 25000 : i32
    %multiple_of3A_50 = tpu.assume_multiple %multiple_of3A_49, 8 : i32
    %dma_wait3A_51 = tpu.memref_slice %arg5[%multiple_of3A_50] : memref<25600xi32, #tpu.memory_space<vmem>> -> memref<200xi32, #tpu.memory_space<vmem>>
    %dma_wait3A_52 = arith.constant 0 : i32
    %dma_wait3A_53 = arith.constant 0 : i32
    %dma_wait3A_54 = tpu.memref_slice %arg3[%dma_wait3A_52, %dma_wait3A_53] : memref<100000x64xf32, #tpu.memory_space<hbm>> -> memref<100000x64xf32, #tpu.memory_space<hbm>>
    tpu.wait_indirect_dma semaphore(%arg11 : memref<!tpu.dma_semaphore, #tpu.memory_space<semaphore_mem>>) src(%dma_wait3A_54 : memref<100000x64xf32, #tpu.memory_space<hbm>>) dst(%arg7 : memref<200x64xf32, #tpu.memory_space<vmem>>)
    %add3A_55 = arith.constant 125 : i32
    %add3A_56 = arith.addi %multiple_of3A, %add3A_55 : i32
    %dma_start3A_57 = arith.constant 0 : i32
    %dma_start3A_58 = arith.constant 0 : i32
    %dma_start3A_59 = tpu.memref_slice %arg4[%add3A_56, %dma_start3A_57, %dma_start3A_58] : memref<4096x200x128xf32, #tpu.memory_space<hbm>> -> memref<1x200x64xf32, #tpu.memory_space<hbm>>
    %dma_start3A_60 = tpu.memref_squeeze %dma_start3A_59 : memref<1x200x64xf32, #tpu.memory_space<hbm>> -> memref<200x64xf32, #tpu.memory_space<hbm>>
    %dma_start3A_61 = arith.constant 0 : i32
    %dma_start3A_62 = arith.constant 0 : i32
    %dma_start3A_63 = tpu.memref_slice %arg4[%add3A_56, %dma_start3A_61, %dma_start3A_62] : memref<4096x200x128xf32, #tpu.memory_space<hbm>> -> memref<1x200x64xf32, #tpu.memory_space<hbm>>
    %dma_start3A_64 = tpu.memref_squeeze %dma_start3A_63 : memref<1x200x64xf32, #tpu.memory_space<hbm>> -> memref<200x64xf32, #tpu.memory_space<hbm>>
    tpu.enqueue_dma source(%arg7 : memref<200x64xf32, #tpu.memory_space<vmem>>) target(%dma_start3A_64 : memref<200x64xf32, #tpu.memory_space<hbm>>) target_semaphore(%arg15 : memref<!tpu.dma_semaphore, #tpu.memory_space<semaphore_mem>>)
    %multiple_of3A_65 = arith.constant 25200 : i32
    %multiple_of3A_66 = tpu.assume_multiple %multiple_of3A_65, 8 : i32
    %dma_wait3A_67 = tpu.memref_slice %arg5[%multiple_of3A_66] : memref<25600xi32, #tpu.memory_space<vmem>> -> memref<200xi32, #tpu.memory_space<vmem>>
    %dma_wait3A_68 = arith.constant 0 : i32
    %dma_wait3A_69 = arith.constant 0 : i32
    %dma_wait3A_70 = tpu.memref_slice %arg3[%dma_wait3A_68, %dma_wait3A_69] : memref<100000x64xf32, #tpu.memory_space<hbm>> -> memref<100000x64xf32, #tpu.memory_space<hbm>>
    tpu.wait_indirect_dma semaphore(%arg12 : memref<!tpu.dma_semaphore, #tpu.memory_space<semaphore_mem>>) src(%dma_wait3A_70 : memref<100000x64xf32, #tpu.memory_space<hbm>>) dst(%arg8 : memref<200x64xf32, #tpu.memory_space<vmem>>)
    %add3A_71 = arith.constant 126 : i32
    %add3A_72 = arith.addi %multiple_of3A, %add3A_71 : i32
    %dma_start3A_73 = arith.constant 0 : i32
    %dma_start3A_74 = arith.constant 0 : i32
    %dma_start3A_75 = tpu.memref_slice %arg4[%add3A_72, %dma_start3A_73, %dma_start3A_74] : memref<4096x200x128xf32, #tpu.memory_space<hbm>> -> memref<1x200x64xf32, #tpu.memory_space<hbm>>
    %dma_start3A_76 = tpu.memref_squeeze %dma_start3A_75 : memref<1x200x64xf32, #tpu.memory_space<hbm>> -> memref<200x64xf32, #tpu.memory_space<hbm>>
    %dma_start3A_77 = arith.constant 0 : i32
    %dma_start3A_78 = arith.constant 0 : i32
    %dma_start3A_79 = tpu.memref_slice %arg4[%add3A_72, %dma_start3A_77, %dma_start3A_78] : memref<4096x200x128xf32, #tpu.memory_space<hbm>> -> memref<1x200x64xf32, #tpu.memory_space<hbm>>
    %dma_start3A_80 = tpu.memref_squeeze %dma_start3A_79 : memref<1x200x64xf32, #tpu.memory_space<hbm>> -> memref<200x64xf32, #tpu.memory_space<hbm>>
    tpu.enqueue_dma source(%arg8 : memref<200x64xf32, #tpu.memory_space<vmem>>) target(%dma_start3A_80 : memref<200x64xf32, #tpu.memory_space<hbm>>) target_semaphore(%arg16 : memref<!tpu.dma_semaphore, #tpu.memory_space<semaphore_mem>>)
    %multiple_of3A_81 = arith.constant 25400 : i32
    %multiple_of3A_82 = tpu.assume_multiple %multiple_of3A_81, 8 : i32
    %dma_wait3A_83 = tpu.memref_slice %arg5[%multiple_of3A_82] : memref<25600xi32, #tpu.memory_space<vmem>> -> memref<200xi32, #tpu.memory_space<vmem>>
    %dma_wait3A_84 = arith.constant 0 : i32
    %dma_wait3A_85 = arith.constant 0 : i32
    %dma_wait3A_86 = tpu.memref_slice %arg3[%dma_wait3A_84, %dma_wait3A_85] : memref<100000x64xf32, #tpu.memory_space<hbm>> -> memref<100000x64xf32, #tpu.memory_space<hbm>>
    tpu.wait_indirect_dma semaphore(%arg13 : memref<!tpu.dma_semaphore, #tpu.memory_space<semaphore_mem>>) src(%dma_wait3A_86 : memref<100000x64xf32, #tpu.memory_space<hbm>>) dst(%arg9 : memref<200x64xf32, #tpu.memory_space<vmem>>)
    %add3A_87 = arith.constant 127 : i32
    %add3A_88 = arith.addi %multiple_of3A, %add3A_87 : i32
    %dma_start3A_89 = arith.constant 0 : i32
    %dma_start3A_90 = arith.constant 0 : i32
    %dma_start3A_91 = tpu.memref_slice %arg4[%add3A_88, %dma_start3A_89, %dma_start3A_90] : memref<4096x200x128xf32, #tpu.memory_space<hbm>> -> memref<1x200x64xf32, #tpu.memory_space<hbm>>
    %dma_start3A_92 = tpu.memref_squeeze %dma_start3A_91 : memref<1x200x64xf32, #tpu.memory_space<hbm>> -> memref<200x64xf32, #tpu.memory_space<hbm>>
    %dma_start3A_93 = arith.constant 0 : i32
    %dma_start3A_94 = arith.constant 0 : i32
    %dma_start3A_95 = tpu.memref_slice %arg4[%add3A_88, %dma_start3A_93, %dma_start3A_94] : memref<4096x200x128xf32, #tpu.memory_space<hbm>> -> memref<1x200x64xf32, #tpu.memory_space<hbm>>
    %dma_start3A_96 = tpu.memref_squeeze %dma_start3A_95 : memref<1x200x64xf32, #tpu.memory_space<hbm>> -> memref<200x64xf32, #tpu.memory_space<hbm>>
    tpu.enqueue_dma source(%arg9 : memref<200x64xf32, #tpu.memory_space<vmem>>) target(%dma_start3A_96 : memref<200x64xf32, #tpu.memory_space<hbm>>) target_semaphore(%arg17 : memref<!tpu.dma_semaphore, #tpu.memory_space<semaphore_mem>>)
    %add3A_97 = arith.constant 124 : i32
    %add3A_98 = arith.addi %multiple_of3A, %add3A_97 : i32
    %dma_wait3A_99 = arith.constant 0 : i32
    %dma_wait3A_100 = arith.constant 0 : i32
    %dma_wait3A_101 = tpu.memref_slice %arg4[%add3A_98, %dma_wait3A_99, %dma_wait3A_100] : memref<4096x200x128xf32, #tpu.memory_space<hbm>> -> memref<1x200x64xf32, #tpu.memory_space<hbm>>
    %dma_wait3A_102 = tpu.memref_squeeze %dma_wait3A_101 : memref<1x200x64xf32, #tpu.memory_space<hbm>> -> memref<200x64xf32, #tpu.memory_space<hbm>>
    %dma_wait3A_103 = arith.constant 0 : i32
    %dma_wait3A_104 = arith.constant 0 : i32
    %dma_wait3A_105 = tpu.memref_slice %arg4[%add3A_98, %dma_wait3A_103, %dma_wait3A_104] : memref<4096x200x128xf32, #tpu.memory_space<hbm>> -> memref<1x200x64xf32, #tpu.memory_space<hbm>>
    %dma_wait3A_106 = tpu.memref_squeeze %dma_wait3A_105 : memref<1x200x64xf32, #tpu.memory_space<hbm>> -> memref<200x64xf32, #tpu.memory_space<hbm>>
    tpu.wait_dma2 semaphore(%arg14 : memref<!tpu.dma_semaphore, #tpu.memory_space<semaphore_mem>>) src(%arg6 : memref<200x64xf32, #tpu.memory_space<vmem>>) dst(%dma_wait3A_106 : memref<200x64xf32, #tpu.memory_space<hbm>>)
    %add3A_107 = arith.constant 125 : i32
    %add3A_108 = arith.addi %multiple_of3A, %add3A_107 : i32
    %dma_wait3A_109 = arith.constant 0 : i32
    %dma_wait3A_110 = arith.constant 0 : i32
    %dma_wait3A_111 = tpu.memref_slice %arg4[%add3A_108, %dma_wait3A_109, %dma_wait3A_110] : memref<4096x200x128xf32, #tpu.memory_space<hbm>> -> memref<1x200x64xf32, #tpu.memory_space<hbm>>
    %dma_wait3A_112 = tpu.memref_squeeze %dma_wait3A_111 : memref<1x200x64xf32, #tpu.memory_space<hbm>> -> memref<200x64xf32, #tpu.memory_space<hbm>>
    %dma_wait3A_113 = arith.constant 0 : i32
    %dma_wait3A_114 = arith.constant 0 : i32
    %dma_wait3A_115 = tpu.memref_slice %arg4[%add3A_108, %dma_wait3A_113, %dma_wait3A_114] : memref<4096x200x128xf32, #tpu.memory_space<hbm>> -> memref<1x200x64xf32, #tpu.memory_space<hbm>>
    %dma_wait3A_116 = tpu.memref_squeeze %dma_wait3A_115 : memref<1x200x64xf32, #tpu.memory_space<hbm>> -> memref<200x64xf32, #tpu.memory_space<hbm>>
    tpu.wait_dma2 semaphore(%arg15 : memref<!tpu.dma_semaphore, #tpu.memory_space<semaphore_mem>>) src(%arg7 : memref<200x64xf32, #tpu.memory_space<vmem>>) dst(%dma_wait3A_116 : memref<200x64xf32, #tpu.memory_space<hbm>>)
    %add3A_117 = arith.constant 126 : i32
    %add3A_118 = arith.addi %multiple_of3A, %add3A_117 : i32
    %dma_wait3A_119 = arith.constant 0 : i32
    %dma_wait3A_120 = arith.constant 0 : i32
    %dma_wait3A_121 = tpu.memref_slice %arg4[%add3A_118, %dma_wait3A_119, %dma_wait3A_120] : memref<4096x200x128xf32, #tpu.memory_space<hbm>> -> memref<1x200x64xf32, #tpu.memory_space<hbm>>
    %dma_wait3A_122 = tpu.memref_squeeze %dma_wait3A_121 : memref<1x200x64xf32, #tpu.memory_space<hbm>> -> memref<200x64xf32, #tpu.memory_space<hbm>>
    %dma_wait3A_123 = arith.constant 0 : i32
    %dma_wait3A_124 = arith.constant 0 : i32
    %dma_wait3A_125 = tpu.memref_slice %arg4[%add3A_118, %dma_wait3A_123, %dma_wait3A_124] : memref<4096x200x128xf32, #tpu.memory_space<hbm>> -> memref<1x200x64xf32, #tpu.memory_space<hbm>>
    %dma_wait3A_126 = tpu.memref_squeeze %dma_wait3A_125 : memref<1x200x64xf32, #tpu.memory_space<hbm>> -> memref<200x64xf32, #tpu.memory_space<hbm>>
    tpu.wait_dma2 semaphore(%arg16 : memref<!tpu.dma_semaphore, #tpu.memory_space<semaphore_mem>>) src(%arg8 : memref<200x64xf32, #tpu.memory_space<vmem>>) dst(%dma_wait3A_126 : memref<200x64xf32, #tpu.memory_space<hbm>>)
    %add3A_127 = arith.constant 127 : i32
    %add3A_128 = arith.addi %multiple_of3A, %add3A_127 : i32
    %dma_wait3A_129 = arith.constant 0 : i32
    %dma_wait3A_130 = arith.constant 0 : i32
    %dma_wait3A_131 = tpu.memref_slice %arg4[%add3A_128, %dma_wait3A_129, %dma_wait3A_130] : memref<4096x200x128xf32, #tpu.memory_space<hbm>> -> memref<1x200x64xf32, #tpu.memory_space<hbm>>
    %dma_wait3A_132 = tpu.memref_squeeze %dma_wait3A_131 : memref<1x200x64xf32, #tpu.memory_space<hbm>> -> memref<200x64xf32, #tpu.memory_space<hbm>>
    %dma_wait3A_133 = arith.constant 0 : i32
    %dma_wait3A_134 = arith.constant 0 : i32
    %dma_wait3A_135 = tpu.memref_slice %arg4[%add3A_128, %dma_wait3A_133, %dma_wait3A_134] : memref<4096x200x128xf32, #tpu.memory_space<hbm>> -> memref<1x200x64xf32, #tpu.memory_space<hbm>>
    %dma_wait3A_136 = tpu.memref_squeeze %dma_wait3A_135 : memref<1x200x64xf32, #tpu.memory_space<hbm>> -> memref<200x64xf32, #tpu.memory_space<hbm>>
    tpu.wait_dma2 semaphore(%arg17 : memref<!tpu.dma_semaphore, #tpu.memory_space<semaphore_mem>>) src(%arg9 : memref<200x64xf32, #tpu.memory_space<vmem>>) dst(%dma_wait3A_136 : memref<200x64xf32, #tpu.memory_space<hbm>>)
    return
  }
}

</mosaic_0001>

<sc_bundles>
// kernel: kernel.3.cloned.1.call-start
scs
__scs_entry_jumppad:
0x0: {  	(pc) =	sbr.rel $0x88, $3  }
0x1: {  	(tag) =	ssettag $0x0;
	lr =	simm.s32 $0x1  }
0x2: {  	[smem:$0x3F9F] =	sst lr;
	_ =	strace $0xD0000000  }
0x3: {  	_ = 	snop  }
0x4: {  	_ = 	snop  }
0x5: {  	_ = 	snop  }
0x6: {  	_ = 	snop  }
0x7: {  	_ = 	snop  }
__scs_overlays_trampoline_lowered:
0x8: {  	[smem:$0x3FAE] =	sst s0  }
0x9: {  	[smem:$0x3FAF] =	sst s1  }
0xa: {  	[smem:$0x3FB0] =	sst s2  }
0xb: {  	[smem:$0x3FB1] =	sst s3  }
0xc: {  	[smem:$0x3FB2] =	sst s4  }
0xd: {  	[smem:$0x3FB3] =	sst s5  }
0xe: {  	[smem:$0x3FB4] =	sst s6  }
0xf: {  	[smem:$0x3FB5] =	sst s7  }
0x10: {  	[smem:$0x3FB6] =	sst s8  }
0x11: {  	[smem:$0x3FB7] =	sst s9;
	s0 =	simm.s32 @!p0 $0x0  }
0x12: {  	s1 =	sld [smem:$0x3F9D];
	s0 =	simm.s32 @p0 $0x1  }
0x13: {  	[smem:$0x3FB8] =	sst s0;
	s0 =	simm.s32 @!p1 $0x0  }
0x14: {  	s2 =	sld [smem:$0x3F9C];
	s0 =	simm.s32 @p1 $0x1  }
0x15: {  	[smem:$0x3FB9] =	sst s0;
	s0 =	simm.s32 @!p2 $0x0  }
0x16: {  	s3 =	sld [smem:$0x3FDB];
	s0 =	simm.s32 @p2 $0x1  }
0x17: {  	s4 =	simm.s32 $0x1BF5;
	[smem:$0x3FBB] =	sst s0  }
0x18: {  	s0 =	sld [smem:$0x3F9E];
	_ =	swait.ge [sflag:s4], $0x0  }
0x19: {  	s7 =	sld [smem:$0x3F9F]  }
0x1a: {  	s8 =	sadd.s32 $0xFFFFE003, lr  }
0x1b: {  	s9 =	sadd.s32 $0xFFFFFEF7, lr;
	s5 =	simm.s32 $0xFFFFFFFF;
	p2 =	slt.u32 s8, $0xFFFFF086  }
0x1c: {  	p1 =	slt.u32 s9, $0xF7A;
	s5 =	simm.s32 @!p2 $0x0  }
0x1d: {  	s5 =	simm.s32 @p1 $0x1;
	p0 =	seq.s32 s7, s2  }
0x1e: {  	s7 =	smul.u32 @!p0 $0xF7A, s2;
	p2 =	seq.s32 @!p0 s5, $0x0  }
0x1f: {  	s9 =	smul.u32 $0xF7A, s1;
	s8 =	simm.s32 @!p0 $0x1BF5;
	p2 =	por !p2, p0  }
0x20: {  	[sflag:s8] =	ssyncset.s32 @!p0 $0xFFFFF086;
	s6 =	sadd.s32 @!p0 s3, s7;
	s7 =	simm.s32 @!p0 $0x108  }
0x21: {  	s3 =	sadd.s32 s3, s9;
	s6 =	sadd.s32 @!p0 $0x88, s6;
	s7 =	simm.s32 @p2 $0x1082  }
0x22: {  	[simem:s7], [sflag:s8] =	dma.local @!p0 [hbm:s6], $0xF7A  }
0x23: {  	s9 =	sor.u32 $0xD0000000, s2;
	s6 =	simm.s32 $0x108;
	_ =	swait.ge @!p0 [sflag:s8], $0x0  }
0x24: {  	s3 =	sadd.s32 $0x88, s3;
	s6 =	simm.s32 @!p1 $0x1082;
	[sflag:s4] =	ssyncset.s32 $0xFFFFF086  }
0x25: {  	[simem:s6], [sflag:s4] =	dma.local [hbm:s3], $0xF7A  }
0x26: {  	[smem:$0x3F9F] =	sst s1;
	(tag) =	ssettag s2;
	_ =	strace s9  }
0x27: {  	s1 =	sld [smem:$0x3FAF]  }
0x28: {  	s2 =	sld [smem:$0x3FB0]  }
0x29: {  	s4 =	sld [smem:$0x3FB2]  }
0x2a: {  	p0 =	seq.s32 s5, $0x0;
	s5 =	sld [smem:$0x3FB3]  }
0x2b: {  	s6 =	sld [smem:$0x3FB4]  }
0x2c: {  	s7 =	sld [smem:$0x3FB5]  }
0x2d: {  	s3 =	simm.s32 $0x108;
	s8 =	sld [smem:$0x3FB6]  }
0x2e: {  	s3 =	simm.s32 @!p0 $0x1082;
	s9 =	sld [smem:$0x3FB7]  }
0x2f: {  	lr =	sadd.s32 s0, s3;
	s0 =	sld [smem:$0x3FAE]  }
0x30: {  	s3 =	sld [smem:$0x3FB1]  }
0x31: {  	[smem:$0x3FBA] =	sst s10  }
0x32: {  	s10 =	sld [smem:$0x3FB8];
	_ =	sdelay $0x3  }
0x33: {  	p0 =	seq.s32 s10, $0x1;
	s10 =	sld [smem:$0x3FBA];
	_ =	sdelay $0x3  }
0x34: {  	[smem:$0x3FBA] =	sst s10  }
0x35: {  	s10 =	sld [smem:$0x3FB9];
	_ =	sdelay $0x3  }
0x36: {  	p1 =	seq.s32 s10, $0x1;
	s10 =	sld [smem:$0x3FBA];
	_ =	sdelay $0x3  }
0x37: {  	[smem:$0x3FBA] =	sst s10  }
0x38: {  	s10 =	sld [smem:$0x3FBB]  }
0x39: {  	_ = 	snop;
	(pc) =	sbr.ind lr, $3  }
0x3a: {  	_ = 	snop  }
0x3b: {  	_ = 	snop  }
0x3c: {  	p2 =	seq.s32 s10, $0x1;
	s10 =	sld [smem:$0x3FBA]  }
0x3d: {  	_ =	shalt  }
0x3e: {  	_ =	shalt  }
0x3f: {  	_ =	shalt  }
0x40: {  	_ =	shalt  }
0x41: {  	_ =	shalt  }
0x42: {  	_ =	shalt  }
0x43: {  	_ =	shalt  }
0x44: {  	_ =	shalt  }
0x45: {  	_ =	shalt  }
0x46: {  	_ =	shalt  }
0x47: {  	_ =	shalt  }
0x48: {  	_ =	shalt  }
0x49: {  	_ =	shalt  }
0x4a: {  	_ =	shalt  }
0x4b: {  	_ =	shalt  }
0x4c: {  	_ =	shalt  }
0x4d: {  	_ =	shalt  }
0x4e: {  	_ =	shalt  }
0x4f: {  	_ =	shalt  }
0x50: {  	_ =	shalt  }
0x51: {  	_ =	shalt  }
0x52: {  	_ =	shalt  }
0x53: {  	_ =	shalt  }
0x54: {  	_ =	shalt  }
0x55: {  	_ =	shalt  }
0x56: {  	_ =	shalt  }
0x57: {  	_ =	shalt  }
0x58: {  	_ =	shalt  }
0x59: {  	_ =	shalt  }
0x5a: {  	_ =	shalt  }
0x5b: {  	_ =	shalt  }
0x5c: {  	_ =	shalt  }
0x5d: {  	_ =	shalt  }
0x5e: {  	_ =	shalt  }
0x5f: {  	_ =	shalt  }
0x60: {  	_ =	shalt  }
0x61: {  	_ =	shalt  }
0x62: {  	_ =	shalt  }
0x63: {  	_ =	shalt  }
0x64: {  	_ =	shalt  }
0x65: {  	_ =	shalt  }
0x66: {  	_ =	shalt  }
0x67: {  	_ =	shalt  }
0x68: {  	_ =	shalt  }
0x69: {  	_ =	shalt  }
0x6a: {  	_ =	shalt  }
0x6b: {  	_ =	shalt  }
0x6c: {  	_ =	shalt  }
0x6d: {  	_ =	shalt  }
0x6e: {  	_ =	shalt  }
0x6f: {  	_ =	shalt  }
0x70: {  	_ =	shalt  }
0x71: {  	_ =	shalt  }
0x72: {  	_ =	shalt  }
0x73: {  	_ =	shalt  }
0x74: {  	_ =	shalt  }
0x75: {  	_ =	shalt  }
0x76: {  	_ =	shalt  }
0x77: {  	_ =	shalt  }
0x78: {  	_ =	shalt  }
0x79: {  	_ =	shalt  }
0x7a: {  	_ =	shalt  }
0x7b: {  	_ =	shalt  }
0x7c: {  	_ =	shalt  }
0x7d: {  	_ =	shalt  }
0x7e: {  	_ =	shalt  }
0x7f: {  	_ =	shalt  }
0x80: {  	_ =	shalt  }
0x81: {  	_ =	shalt  }
0x82: {  	_ =	shalt  }
0x83: {  	_ =	shalt  }
0x84: {  	_ =	shalt  }
0x85: {  	_ =	shalt  }
0x86: {  	_ =	shalt  }
0x87: {  	_ =	shalt  }
.Lfunc_end0:
.L_simem_size_0:
called_computation.1_lowered:
.L_overlay_start_0:
0x88: {  	s2 =	sld [smem:$0x3FD9]  }
0x89: {  	s3 =	sld [smem:$0x3FFE];
	_ =	sdelay $0x1  }
0x8a: {  	s1 =	srdreg.scid  }
0x8b: {  	s0 =	sand.u32 $0x1, s1  }
0x8c: {  	s16 =	sshll.u32 s0, $0xA;
	s2 =	sadd.s32 s3, s2  }
0x8d: {  	s2 =	sadd.s32 s2, s16  }
0x8e: {  	[smem:$0x3FC6] =	sst s2  }
0x8f: {  	_ = 	snop  }
0x90: {  	(tm) =	ssettm $0x1  }
0x91: {  	s17 =	sld [smem:$0x3FFB];
	_ =	sdelay $0x3  }
0x92: {  	_ =	strace s17  }
0x93: {  	s2 =	sld [smem:$0x3FFC];
	_ =	sdelay $0x3  }
0x94: {  	_ =	strace s2  }
0x95: {  	s2 =	sld [smem:$0x3FFD];
	_ =	sdelay $0x3  }
0x96: {  	_ =	strace s2  }
0x97: {  	_ =	strace $0x8FFFFFFF  }
0x98: {  	s18 =	sld [smem:$0x3FDB];
	_ =	sdelay $0x1  }
0x99: {  	s19 =	simm.s32 $_scs_section_size  }
0x9a: {  	s4 =	simm.s32 $_size__tile_overlayer_lowered;
	s5 =	simm.s32 $_tile_overlayer_lowered  }
0x9b: {  	s22 =	simm.s32 $0x1BFF;
	s21 =	sshll.u32 s5, $0x1;
	s2 =	sadd.s32 s19, s18  }
0x9c: {  	s6 =	simm.s32 $0x0;
	s20 =	sshll.u32 s4, $0x1;
	s4 =	sadd.s32 s21, s2  }
0x9d: {  	[timem:s6], [sflag:s22] =	dma.local [hbm:s4], s20  }
0x9e: {  	_ =	swait.ge [sflag:s22], s20  }
0x9f: {  	s3 =	ssub.s32 $0x0, s20;
	[sflag:s22] =	ssyncset.done $0x0  }
0xa0: {  	[sflag:s22] =	ssyncadd.s32 s3;
	_ =	sdelay $0x1  }
0xa1: {  	s23 =	simm.s32 $0x1B8B  }
0xa2: {  	_ =	swait.ge [sflag:s23], $0x1  }
0xa3: {  	[sflag:s23] =	ssyncset.done $0x0  }
0xa4: {  	s25 =	simm.s32 $0x1B8E;
	s24 =	sld [smem:$0x3FFE];
	[sflag:s23] =	ssyncadd.s32 $0xFFFFFFFF  }
0xa5: {  	s26 =	simm.s32 $execute0_lowered;
	[smem:$0x3FD2] =	sst s25  }
0xa6: {  	s4 =	sshll.u32 s26, $0x1;
	_ =	strace $0x80000046;
	[dreg:$0x1] =	wrdreg $0xFFFFFFFF  }
0xa7: {  	s28 =	simm.s32 $_size_execute0_lowered;
	s2 =	sadd.s32 s2, s4;
	[dreg:$0x0] =	wrdreg $0x0  }
0xa8: {  	s4 =	sshll.u32 s28, $0x1;
	[dreg:$0x2] =	wrdreg s2  }
0xa9: {  	[dreg:$0x3] =	wrdreg s4  }
0xaa: {  	[dreg:$0x4] =	wrdreg $0xC0  }
0xab: {  	_ =	task [dreg:s6], $0x5FFFF  }
0xac: {  	[dreg:$0x1] =	wrdreg $0xFFFFFFFF  }
0xad: {  	[dreg:$0x0] =	wrdreg $0x60  }
0xae: {  	[dreg:$0x2] =	wrdreg s24  }
0xaf: {  	[dreg:$0x3] =	wrdreg $0x9  }
0xb0: {  	_ =	task.clear_ibuf [dreg:s6], $0x4FFFF;
	_ =	strace $0x90000046  }
0xb1: {  	s29 =	simm.s32 $0x9;
	_ =	strace $0x80000048  }
0xb2: {  	_ =	swait.ge [sflag:s29], $0x1  }
0xb3: {  	[sflag:s29] =	ssyncadd.s32 $0xFFFFFFFF  }
0xb4: {  	_ =	strace $0x90000048  }
0xb5: {  	_ =	sfence  }
0xb6: {  	s30 =	sld [smem:$0x0];
	_ =	sdelay $0x2  }
0xb7: {  	s31 =	sshll.u32 s1, $0xD;
	s1 =	sshrl.u32 s1, $0x2  }
0xb8: {  	s3 =	sand.u32 $0x4000, s31;
	s1 =	sadd.s32 s1, s30  }
0xb9: {  	s0 =	sor.u32 s3, s0;
	s1 =	sshll.u32 s1, $0x11  }
0xba: {  	s0 =	sor.u32 s1, s0  }
0xbb: {  	s0 =	sadd.s32 $0x8F2B, s0  }
0xbc: {  	[sflag:s0] =	ssyncadd.remote.s32 $0x1  }
0xbd: {  	_ =	sfence.sel $0xFFFF  }
0xbe: {  	[dreg:$0x0] =	wrdreg $0xFFFFFFFF;
	(pc) =	sbr.abs _section_cstart, $3  }
0xbf: {  	[dreg:$0x1] =	wrdreg $0xFFFFFFFF  }
0xc0: {  	_ =	task.clear_ibuf [dreg:s6], $0x2FFFF;
	_ =	strace $0x9FFFFFFF  }
0xc1: {  	(tm) =	ssettm $0x7FFFFFFF  }
tec
execute0_lowered:
.L_overlay_start_1:
0x0: {  	(tag) =	ssettag $0x1  }
0x1: {  	s0 =	srdreg.scid;
	s10 =	stileid.u32  }
0x2: {  	s1 =	rddreg [dreg:$0x0];
	s2 =	simm.s32 $0x0;
	s11 =	simm.s32 $0x9  }
0x3: {  	s12 =	simm.s32 $0xC8;
	s13 =	simm.s32 $0x6400;
	s14 =	simm.s32 $0x9600  }
0x4: {  	s16 =	simm.s32 $0xC800;
	s17 =	simm.s32 $0x258;
	s18 =	simm.s32 $0xFA00  }
0x5: {  	s19 =	simm.s32 $0x1;
	s20 =	simm.s32 $0x40;
	s21 =	simm.s32 $0x80  }
0x6: {  	s22 =	simm.s32 $0x2;
	s23 =	simm.s32 $0x3;
	s24 =	simm.s32 $0x4  }
0x7: {  	s25 =	simm.s32 $0x5;
	s26 =	simm.s32 $0x6;
	s28 =	simm.s32 $0x7  }
0x8: {  	s29 =	simm.s32 $0x8;
	s0 =	sand.u32 $0x1, s0;
	s3 =	sshll.u32 s10, $0x1  }
0x9: {  	s30 =	simm.s32 $0x0;
	s10 =	smul.u32 $0xC8000, s10;
	s3 =	sor.u32 s0, s3  }
0xa: {  	[smem:$0x7FF] =	sst s2;
	s5 =	ssub.s32 $0x2, s0;
	s4 =	smul.u32 $0xC80, s3  }
0xb: {  	_ =	strace $0x80000047;
	s6 =	smul.u32 $0x320000, s3;
	s7 =	sshrl.u32 s5, $0x1  }
0xc: {  	s0 =	smul.u32 $0x64000, s0;
	s3 =	sadd.s32 $0x19800, s1;
	s9 =	ssub.s32 s5, s7  }
0xd: {  	s4 =	sadd.s32 s4, s1;
	s1 =	sadd.s32 $0xDCE00, s1;
	s31 =	sshrl.u32 s6, $0x3  }
0xe: {  	s9 =	smax.u32 s9, $0x1;
	s4 =	sadd.s32 $0x800, s4;
	s8 =	sadd.s32 s1, s31  }
0xf: {  	s1 =	sadd.s32 s10, s1;
	s5 =	sadd.s32 $0x60E00, s8;
	s6 =	sadd.s32 $0x61A80, s8  }
0x10: {  	s7 =	sadd.s32 $0x62700, s8;
	s8 =	sadd.s32 $0x63380, s8;
	s10 =	sadd.s32 s0, s1  }
.LBB2_1:
0x11: {  	[tilespmem:s2], [sflag:$0x9] =	stream.linear.gather [hbm4b:s4+s2], $0x6400, $0x38;
	[tilespmem:$0x12C00] =	vst v63  }
0x12: {  	_ =	swait.ge [sflag:s11], $0x6400  }
0x13: {  	[sflag:s11] =	ssyncset.done $0x0  }
0x14: {  	[sflag:s11] =	ssyncadd.s32 $0xFFFF9C00  }
0x15: {  	[tilespmem:s13], [sflag:$0x1] =	stream.indirect.gather [hbm4b:s3+s12], $0x40, s2, s12, $0xb8;
	[tilespmem:$0x12C00] =	vst v63  }
0x16: {  	_ = 	snop  }
0x17: {  	[tilespmem:s14], [sflag:$0x2] =	stream.indirect.gather [hbm4b:s3+s12], $0x40, s12, s12, $0xb8;
	[tilespmem:$0x12C00] =	vst v63  }
0x18: {  	s0 =	simm.s32 $0x190  }
0x19: {  	[tilespmem:s16], [sflag:$0x3] =	stream.indirect.gather [hbm4b:s3+s12], $0x40, s0, s12, $0xb8;
	[tilespmem:$0x12C00] =	vst v63  }
0x1a: {  	_ = 	snop  }
0x1b: {  	[tilespmem:s18], [sflag:$0x4] =	stream.indirect.gather [hbm4b:s3+s12], $0x40, s17, s12, $0xb8;
	[tilespmem:$0x12C00] =	vst v63  }
0x1c: {  	_ =	swait.ge [sflag:s19], $0x3200  }
0x1d: {  	[sflag:s19] =	ssyncset.done $0x0  }
0x1e: {  	[sflag:s19] =	ssyncadd.s32 $0xFFFFCE00  }
0x1f: {  	[hbm4b:s10+s20] =	stream.strided.scatter [tilespmem:s13], [sflag:$0x5], $0x3200, s21, s20, $0x38;
	[tilespmem:$0x12C00] =	vst v63  }
0x20: {  	_ =	swait.ge [sflag:s22], $0x3200  }
0x21: {  	[sflag:s22] =	ssyncset.done $0x0  }
0x22: {  	s1 =	sadd.s32 $0xC80, s10;
	[sflag:s22] =	ssyncadd.s32 $0xFFFFCE00  }
0x23: {  	[hbm4b:s1+s20] =	stream.strided.scatter [tilespmem:s14], [sflag:$0x6], $0x3200, s21, s20, $0x38;
	[tilespmem:$0x12C00] =	vst v63  }
0x24: {  	_ =	swait.ge [sflag:s23], $0x3200  }
0x25: {  	[sflag:s23] =	ssyncset.done $0x0  }
0x26: {  	s15 =	sadd.s32 $0x1900, s10;
	[sflag:s23] =	ssyncadd.s32 $0xFFFFCE00  }
0x27: {  	[hbm4b:s15+s20] =	stream.strided.scatter [tilespmem:s16], [sflag:$0x7], $0x3200, s21, s20, $0x38;
	[tilespmem:$0x12C00] =	vst v63  }
0x28: {  	_ =	swait.ge [sflag:s24], $0x3200  }
0x29: {  	[sflag:s24] =	ssyncset.done $0x0  }
0x2a: {  	s1 =	sadd.s32 $0x2580, s10;
	[sflag:s24] =	ssyncadd.s32 $0xFFFFCE00  }
0x2b: {  	[hbm4b:s1+s20] =	stream.strided.scatter [tilespmem:s18], [sflag:$0x8], $0x3200, s21, s20, $0x38;
	[tilespmem:$0x12C00] =	vst v63  }
0x2c: {  	_ =	swait.ge [sflag:s25], $0x3200  }
0x2d: {  	[sflag:s25] =	ssyncset.done $0x0  }
0x2e: {  	s15 =	simm.s32 $0x320;
	[sflag:s25] =	ssyncadd.s32 $0xFFFFCE00  }
0x2f: {  	[tilespmem:s13], [sflag:$0x1] =	stream.indirect.gather [hbm4b:s3+s12], $0x40, s15, s12, $0xb8;
	[tilespmem:$0x12C00] =	vst v63  }
0x30: {  	_ =	swait.ge [sflag:s26], $0x3200  }
0x31: {  	[sflag:s26] =	ssyncset.done $0x0  }
0x32: {  	s1 =	simm.s32 $0x3E8;
	[sflag:s26] =	ssyncadd.s32 $0xFFFFCE00  }
0x33: {  	[tilespmem:s14], [sflag:$0x2] =	stream.indirect.gather [hbm4b:s3+s12], $0x40, s1, s12, $0xb8;
	[tilespmem:$0x12C00] =	vst v63  }
0x34: {  	_ =	swait.ge [sflag:s28], $0x3200  }
0x35: {  	[sflag:s28] =	ssyncset.done $0x0  }
0x36: {  	s15 =	simm.s32 $0x4B0;
	[sflag:s28] =	ssyncadd.s32 $0xFFFFCE00  }
0x37: {  	[tilespmem:s16], [sflag:$0x3] =	stream.indirect.gather [hbm4b:s3+s12], $0x40, s15, s12, $0xb8;
	[tilespmem:$0x12C00] =	vst v63  }
0x38: {  	_ =	swait.ge [sflag:s29], $0x3200  }
0x39: {  	s31 =	simm.s32 $0xC80;
	[sflag:s29] =	ssyncset.done $0x0  }
0x3a: {  	s0 =	simm.s32 $0x578;
	s1 =	sadd.s32 $0x3200, s10;
	[sflag:s29] =	ssyncadd.s32 $0xFFFFCE00  }
.LBB2_2:
0x3b: {  	[tilespmem:s18], [sflag:$0x4] =	stream.indirect.gather [hbm4b:s3+s12], $0x40, s0, s12, $0xb8;
	[tilespmem:$0x12C00] =	vst v63  }
0x3c: {  	s0 =	smov.u32 s31  }
0x3d: {  	p0 =	sne.s32 s31, $0x17700;
	s31 =	sadd.s32 $0xC80, s31;
	_ =	swait.ge [sflag:s19], $0x3200  }
0x3e: {  	[sflag:s19] =	ssyncset.done $0x0  }
0x3f: {  	[sflag:s19] =	ssyncadd.s32 $0xFFFFCE00  }
0x40: {  	[hbm4b:s1+s20] =	stream.strided.scatter [tilespmem:s13], [sflag:$0x5], $0x3200, s21, s20, $0x38;
	[tilespmem:$0x12C00] =	vst v63  }
0x41: {  	_ =	swait.ge [sflag:s22], $0x3200  }
0x42: {  	[sflag:s22] =	ssyncset.done $0x0  }
0x43: {  	s15 =	sadd.s32 $0xC80, s1;
	[sflag:s22] =	ssyncadd.s32 $0xFFFFCE00  }
0x44: {  	[hbm4b:s15+s20] =	stream.strided.scatter [tilespmem:s14], [sflag:$0x6], $0x3200, s21, s20, $0x38;
	[tilespmem:$0x12C00] =	vst v63  }
0x45: {  	_ =	swait.ge [sflag:s23], $0x3200  }
0x46: {  	[sflag:s23] =	ssyncset.done $0x0  }
0x47: {  	s15 =	sadd.s32 $0x1900, s1;
	[sflag:s23] =	ssyncadd.s32 $0xFFFFCE00  }
0x48: {  	[hbm4b:s15+s20] =	stream.strided.scatter [tilespmem:s16], [sflag:$0x7], $0x3200, s21, s20, $0x38;
	[tilespmem:$0x12C00] =	vst v63  }
0x49: {  	_ =	swait.ge [sflag:s24], $0x3200  }
0x4a: {  	[sflag:s24] =	ssyncset.done $0x0  }
0x4b: {  	s15 =	sadd.s32 $0x2580, s1;
	[sflag:s24] =	ssyncadd.s32 $0xFFFFCE00  }
0x4c: {  	[hbm4b:s15+s20] =	stream.strided.scatter [tilespmem:s18], [sflag:$0x8], $0x3200, s21, s20, $0x38;
	[tilespmem:$0x12C00] =	vst v63  }
0x4d: {  	_ =	swait.ge [sflag:s25], $0x3200  }
0x4e: {  	s0 =	sshra.s32 s0, $0x2;
	[sflag:s25] =	ssyncset.done $0x0  }
0x4f: {  	s15 =	sadd.s32 $0x320, s0;
	[sflag:s25] =	ssyncadd.s32 $0xFFFFCE00  }
0x50: {  	[tilespmem:s13], [sflag:$0x1] =	stream.indirect.gather [hbm4b:s3+s12], $0x40, s15, s12, $0xb8;
	[tilespmem:$0x12C00] =	vst v63  }
0x51: {  	_ =	swait.ge [sflag:s26], $0x3200  }
0x52: {  	[sflag:s26] =	ssyncset.done $0x0  }
0x53: {  	s15 =	sadd.s32 $0x3E8, s0;
	[sflag:s26] =	ssyncadd.s32 $0xFFFFCE00  }
0x54: {  	[tilespmem:s14], [sflag:$0x2] =	stream.indirect.gather [hbm4b:s3+s12], $0x40, s15, s12, $0xb8;
	[tilespmem:$0x12C00] =	vst v63  }
0x55: {  	_ =	swait.ge [sflag:s28], $0x3200  }
0x56: {  	[sflag:s28] =	ssyncset.done $0x0  }
.Ltmp0:
0x57: {  	s15 =	sadd.s32 $0x4B0, s0;
	[sflag:s28] =	ssyncadd.s32 $0xFFFFCE00;
	(pc) =	sbr.rel @p0 .LBB2_2-.Ltmp0, $4  }
0x58: {  	[tilespmem:s16], [sflag:$0x3] =	stream.indirect.gather [hbm4b:s3+s12], $0x40, s15, s12, $0xb8;
	[tilespmem:$0x12C00] =	vst v63  }
0x59: {  	_ =	swait.ge [sflag:s29], $0x3200  }
0x5a: {  	[sflag:s29] =	ssyncset.done $0x0  }
0x5b: {  	s1 =	sadd.s32 $0x3200, s1;
	s0 =	sadd.s32 $0x578, s0;
	[sflag:s29] =	ssyncadd.s32 $0xFFFFCE00  }
0x5c: {  	[tilespmem:s18], [sflag:$0x4] =	stream.indirect.gather [hbm4b:s3+s12], $0x40, s0, s12, $0xb8;
	[tilespmem:$0x12C00] =	vst v63  }
0x5d: {  	_ =	swait.ge [sflag:s19], $0x3200  }
0x5e: {  	[sflag:s19] =	ssyncset.done $0x0  }
0x5f: {  	[sflag:s19] =	ssyncadd.s32 $0xFFFFCE00  }
0x60: {  	[hbm4b:s5+s20] =	stream.strided.scatter [tilespmem:s13], [sflag:$0x5], $0x3200, s21, s20, $0x38;
	[tilespmem:$0x12C00] =	vst v63  }
0x61: {  	_ =	swait.ge [sflag:s22], $0x3200  }
0x62: {  	[sflag:s22] =	ssyncset.done $0x0  }
0x63: {  	[sflag:s22] =	ssyncadd.s32 $0xFFFFCE00  }
0x64: {  	[hbm4b:s6+s20] =	stream.strided.scatter [tilespmem:s14], [sflag:$0x6], $0x3200, s21, s20, $0x38;
	[tilespmem:$0x12C00] =	vst v63  }
0x65: {  	_ =	swait.ge [sflag:s23], $0x3200  }
0x66: {  	[sflag:s23] =	ssyncset.done $0x0  }
0x67: {  	[sflag:s23] =	ssyncadd.s32 $0xFFFFCE00  }
0x68: {  	[hbm4b:s7+s20] =	stream.strided.scatter [tilespmem:s16], [sflag:$0x7], $0x3200, s21, s20, $0x38;
	[tilespmem:$0x12C00] =	vst v63  }
0x69: {  	_ =	swait.ge [sflag:s24], $0x3200  }
0x6a: {  	[sflag:s24] =	ssyncset.done $0x0  }
0x6b: {  	[sflag:s24] =	ssyncadd.s32 $0xFFFFCE00  }
0x6c: {  	[hbm4b:s8+s20] =	stream.strided.scatter [tilespmem:s18], [sflag:$0x8], $0x3200, s21, s20, $0x38;
	[tilespmem:$0x12C00] =	vst v63  }
0x6d: {  	_ =	swait.ge [sflag:s25], $0x3200  }
0x6e: {  	[sflag:s25] =	ssyncset.done $0x0  }
0x6f: {  	[sflag:s25] =	ssyncadd.s32 $0xFFFFCE00  }
0x70: {  	_ =	swait.ge [sflag:s26], $0x3200  }
0x71: {  	[sflag:s26] =	ssyncset.done $0x0  }
0x72: {  	s30 =	sadd.s32 $0x1, s30;
	[sflag:s26] =	ssyncadd.s32 $0xFFFFCE00  }
0x73: {  	p0 =	sne.s32 s30, s9;
	_ =	swait.ge [sflag:s28], $0x3200  }
.Ltmp1:
0x74: {  	[sflag:s28] =	ssyncset.done $0x0;
	(pc) =	sbr.rel @p0 .LBB2_1-.Ltmp1, $4  }
0x75: {  	[sflag:s28] =	ssyncadd.s32 $0xFFFFCE00  }
0x76: {  	_ =	swait.ge [sflag:s29], $0x3200  }
0x77: {  	[sflag:s29] =	ssyncset.done $0x0  }
0x78: {  	[sflag:s29] =	ssyncadd.s32 $0xFFFFCE00  }
0x79: {  	_ =	sfence.sel $0x180000  }
0x7a: {  	[bflag:$0x0] =	sbarrier.arrive $0xFFFF  }
0x7b: {  	_ =	strace $0x90000047  }
0x7c: {  	s0 =	stileid.u32;
	[bflag:$0x2] =	sbarrier.arrive $0xFFFF  }
0x7d: {  	p0 =	sne.s32 s0, $0x0;
	s0 =	rddreg [dreg:$0x1]  }
0x7e: {  	s0 =	sadd.s32 @!p0 $0x100000, s0  }
0x7f: {  	[sflag:s0] =	ssyncadd.tile.s32 @!p0 $0x1;
	_ =	shalt  }
.Lfunc_end2:
_tile_overlayer_lowered:
.L_overlay_start_2:
0x80: {  	(tag) =	ssettag $0x2  }
0x81: {  	s0 =	rddreg [dreg:$0x0];
	s2 =	stileid.u32  }
0x82: {  	s1 =	rddreg [dreg:$0x1];
	p0 =	sne.s32 s2, $0x0  }
0x83: {  	s3 =	rddreg [dreg:$0x2];
	[bflag:$0x3] =	sbarrier.arrive $0xFFFF;
	s2 =	simm.s32 @!p0 $0x1C09  }
0x84: {  	[timem:s3], [sflag:s2] =	dma.local @!p0 [hbm:s0], s1  }
0x85: {  	s0 =	simm.s32 @!p0 $0x9  }
0x86: {  	_ =	swait.ge @!p0 [sflag:s0], s1  }
0x87: {  	s1 =	ssub.s32 @!p0 $0x0, s1;
	[sflag:s0] =	ssyncset.done @!p0 $0x0  }
0x88: {  	[sflag:s0] =	ssyncadd.s32 @!p0 s1  }
0x89: {  	[bflag:$0x3] =	sbarrier.arrive $0xFFFF  }
0x8a: {  	_ =	shalt  }

// kernel: sparse-core-data-format-call.cloned.1.call-start
scs
called_computation_lowered:
.L_overlay_start_0:
0x0: {  	s2 =	sld [smem:$0x3FD9]  }
0x1: {  	s3 =	sld [smem:$0x3FFE];
	_ =	sdelay $0x1  }
0x2: {  	s1 =	srdreg.scid  }
0x3: {  	s0 =	sand.u32 $0x1, s1  }
0x4: {  	s18 =	sshll.u32 s0, $0xA;
	s2 =	sadd.s32 s3, s2  }
0x5: {  	s2 =	sadd.s32 s2, s18  }
0x6: {  	[smem:$0x3FC6] =	sst s2  }
0x7: {  	_ = 	snop  }
0x8: {  	s2 =	sld [smem:$0x3FD0];
	(tm) =	ssettm $0x1  }
0x9: {  	s19 =	sld [smem:$0x3FFB];
	_ =	sdelay $0x3  }
0xa: {  	_ =	strace s19  }
0xb: {  	s3 =	sld [smem:$0x3FFC];
	_ =	sdelay $0x3  }
0xc: {  	_ =	strace s3  }
0xd: {  	s3 =	sld [smem:$0x3FFD];
	_ =	sdelay $0x3  }
0xe: {  	_ =	strace s3  }
0xf: {  	_ =	strace $0x8FFFFFFF  }
0x10: {  	s20 =	sld [smem:$0x3FDB];
	_ =	sdelay $0x1  }
0x11: {  	s4 =	simm.s32 $_scs_section_size  }
0x12: {  	s5 =	simm.s32 $_size__tile_overlayer_lowered;
	s6 =	simm.s32 $_tile_overlayer_lowered  }
0x13: {  	s23 =	simm.s32 $0x1BFF;
	s22 =	sshll.u32 s6, $0x1;
	s3 =	sadd.s32 s4, s20  }
0x14: {  	s7 =	simm.s32 $0x0;
	s21 =	sshll.u32 s5, $0x1;
	s5 =	sadd.s32 s22, s3  }
0x15: {  	[timem:s7], [sflag:s23] =	dma.local [hbm:s5], s21  }
0x16: {  	_ =	swait.ge [sflag:s23], s21  }
0x17: {  	s4 =	ssub.s32 $0x0, s21;
	[sflag:s23] =	ssyncset.done $0x0  }
0x18: {  	[sflag:s23] =	ssyncadd.s32 s4;
	_ =	sdelay $0x1  }
0x19: {  	s24 =	simm.s32 $0x1B8B  }
0x1a: {  	_ =	swait.ge [sflag:s24], $0x1  }
0x1b: {  	[sflag:s24] =	ssyncset.done $0x0  }
0x1c: {  	s26 =	simm.s32 $0x1B8E;
	s25 =	sld [smem:$0x3FFE];
	[sflag:s24] =	ssyncadd.s32 $0xFFFFFFFF  }
0x1d: {  	s27 =	simm.s32 $execute0_lowered;
	[smem:$0x3FD2] =	sst s26  }
0x1e: {  	s5 =	sshll.u32 s27, $0x1;
	_ =	strace $0x80000049;
	[dreg:$0x1] =	wrdreg $0xFFFFFFFF  }
0x1f: {  	s28 =	simm.s32 $_size_execute0_lowered;
	s3 =	sadd.s32 s3, s5;
	[dreg:$0x0] =	wrdreg $0x0  }
0x20: {  	s5 =	sshll.u32 s28, $0x1;
	[dreg:$0x2] =	wrdreg s3  }
0x21: {  	[dreg:$0x3] =	wrdreg s5  }
0x22: {  	[dreg:$0x4] =	wrdreg $0xC0  }
0x23: {  	_ =	task [dreg:s7], $0x5FFFF  }
0x24: {  	[dreg:$0x1] =	wrdreg $0xFFFFFFFF  }
0x25: {  	[dreg:$0x0] =	wrdreg $0x60  }
0x26: {  	[dreg:$0x2] =	wrdreg s25  }
0x27: {  	[dreg:$0x3] =	wrdreg s2  }
0x28: {  	[dreg:$0x4] =	wrdreg $0x9  }
0x29: {  	_ =	task.clear_ibuf [dreg:s7], $0x5FFFF;
	_ =	strace $0x90000049  }
0x2a: {  	s29 =	simm.s32 $0x9;
	_ =	strace $0x8000004B  }
0x2b: {  	_ =	swait.ge [sflag:s29], $0x1  }
0x2c: {  	[sflag:s29] =	ssyncadd.s32 $0xFFFFFFFF  }
0x2d: {  	_ =	strace $0x9000004B  }
0x2e: {  	_ =	sfence  }
0x2f: {  	s30 =	sld [smem:$0x0];
	_ =	sdelay $0x2  }
0x30: {  	s31 =	sshll.u32 s1, $0xD;
	s1 =	sshrl.u32 s1, $0x2  }
0x31: {  	s3 =	sand.u32 $0x4000, s31;
	s1 =	sadd.s32 s1, s30  }
0x32: {  	s0 =	sor.u32 s3, s0;
	s1 =	sshll.u32 s1, $0x11  }
0x33: {  	s0 =	sor.u32 s1, s0  }
0x34: {  	s0 =	sadd.s32 $0x8F2B, s0  }
0x35: {  	[sflag:s0] =	ssyncadd.remote.s32 $0x1  }
0x36: {  	_ =	sfence.sel $0xFFFF  }
0x37: {  	[dreg:$0x0] =	wrdreg $0xFFFFFFFF;
	(pc) =	sbr.abs _section_cstart, $3  }
0x38: {  	[dreg:$0x1] =	wrdreg $0xFFFFFFFF  }
0x39: {  	_ =	task.clear_ibuf [dreg:s7], $0x2FFFF;
	_ =	strace $0x9FFFFFFF  }
0x3a: {  	(tm) =	ssettm $0x7FFFFFFF  }
0x3b: {  	_ =	shalt  }
tec
execute0_lowered:
.L_overlay_start_1:
0x0: {  	(tag) =	ssettag $0x1  }
0x1: {  	s0 =	srdreg.scid  }
0x2: {  	s1 =	sshll.u32 s0, $0x4  }
0x3: {  	s0 =	stileid.u32;
	s1 =	sand.u32 $0x10, s1  }
0x4: {  	s1 =	sor.u32 s0, s1  }
0x5: {  	s6 =	rddreg [dreg:$0x0];
	s4 =	simm.s32 $0x1;
	s2 =	sshll.u32 s1, $0x7  }
0x6: {  	s7 =	simm.s32 $0x2;
	s12 =	simm.s32 $0x0;
	s1 =	ssub.s32 $0x1000, s2  }
0x7: {  	s8 =	simm.s32 $0x8000;
	s13 =	simm.s32 $0x0;
	s3 =	sand.u32 $0xF80, s1  }
0x8: {  	s9 =	simm.s32 $0x0;
	s5 =	sshrl.u32 s1, $0xC;
	p0 =	sne.s32 s3, $0x0  }
.Ltmp0:
0x9: {  	s1 =	rddreg [dreg:$0x2];
	s4 =	simm.s32 @!p0 $0x0;
	(pc) =	sbr.rel .LBB1_1-.Ltmp0, $4  }
0xa: {  	s11 =	simm.s32 $0x0;
	s3 =	rddreg [dreg:$0x1];
	s5 =	sadd.s32 s4, s5  }
0xb: {  	_ =	strace $0x8000004A;
	s4 =	simm.s32 $0x1;
	s5 =	smul.u32 $0xC8, s5  }
0xc: {  	s6 =	sadd.s32 $0xDCE00, s6;
	s10 =	smov.u32 s2;
	[sflag:s4] =	ssyncpa.u1 $0x0  }
0xd: {  	p0 =	por $0x0, $0x0;
	[sflag:s7] =	ssyncpa.u1 $0x0;
	s7 =	sor.u32 $0x1, s5  }
.LBB1_4:
0xe: {  	s16 =	sshll.u32 s13, $0x3;
	s17 =	sand.u32 $0x78, s13  }
0xf: {  	s30 =	sand.u32 $0x7E00, s13;
	s12 =	sshll.u32 s12, $0xF;
	s16 =	sand.u32 $0xC00, s16  }
0x10: {  	[tilespmem:s15+$0x810 ss:$0x81] =	vst.msk $0xffff, v2;
	s31 =	sand.u32 $0x7, s13;
	s16 =	sor.u32 s17, s16;
	s17 =	sadd.s32 s3, s30  }
0x11: {  	[tilespmem:s15+$0x1020 ss:$0x81] =	vst.msk $0xffff, v0;
	s13 =	sshll.u32 s31, $0x12;
	s12 =	sadd.s32 s12, s17;
	s16 =	sshrl.u32 s16, $0x3  }
0x12: {  	[tilespmem:s15+$0x0 ss:$0x81] =	vst.msk $0xffff, v1;
	s13 =	sor.u32 $0x400, s13;
	s12 =	sadd.s32 s16, s12  }
0x13: {  	[hbm4b:s12+s13] =	stream.strided.scatter [tilespmem:s14], [sflag:$0x2], $0x2000, s8, s13, $0x20;
	[tilespmem:$0x8080] =	vst v63  }
.LBB1_5:
0x14: {  	s14 =	sadd.s32 $0x1, s9  }
0x15: {  	s12 =	sadd.s32 $0x1000, s10;
	s16 =	smov.u32 s10;
	p2 =	sgt.s32 s14, $0xC7  }
0x16: {  	s16 =	smov.u32 @p2 s12  }
0x17: {  	s14 =	simm.s32 @p2 $0x0;
	p2 =	sgt.s32 s16, $0xFFF  }
0x18: {  	s16 =	smov.u32 @p2 s2;
	p2 =	sne.s32 s11, s7  }
.Ltmp1:
0x19: {  	p1 =	slt.u32 s11, $0x2;
	(pc) =	sbr.rel @!p2 .LBB1_6-.Ltmp1, $4  }
0x1a: {  	s15 =	simm.s32 @!p1 $0x2  }
0x1b: {  	s13 =	smov.u32 s10;
	p0 =	por !p0, !p0;
	_ =	swait.ge @!p1 [sflag:s15], $0x2000  }
0x1c: {  	s12 =	smov.u32 s9;
	[sflag:s15] =	ssyncset.done @!p1 $0x0;
	s9 =	smov.u32 s14  }
0x1d: {  	s11 =	sadd.s32 $0x1, s11;
	[sflag:s15] =	ssyncadd.s32 @!p1 $0xFFFFE000;
	s10 =	smov.u32 s16  }
.LBB1_1:
0x1e: {  	p1 =	sge.u32 s11, s5  }
0x1f: {  	s14 =	sand.u32 @!p1 $0x1FFFFFF, s9  }
0x20: {  	s15 =	smulhi.u32 @!p1 $0x147AE15, s14;
	_ =	sdelay $0x1  }
0x21: {  	s15 =	smul.u32 @!p1 $0xC8, s15  }
0x22: {  	s16 =	sxor.u32 @!p1 $0xFFFFFFFF, s11;
	s17 =	smul.u32 @!p1 $0xC80, s10  }
0x23: {  	s31 =	sadd.s32 $0xFFFFFFFF, s11;
	s16 =	sshll.u32 @!p1 s16, $0xD;
	s14 =	ssub.s32 @!p1 s14, s15  }
0x24: {  	s15 =	sand.u32 @!p1 $0x2000, s16;
	s16 =	sadd.s32 @!p1 s6, s17;
	s14 =	sshll.u32 @!p1 s14, $0x4  }
0x25: {  	s17 =	simm.s32 @!p1 $0x6400;
	s14 =	sadd.s32 @!p1 s14, s16;
	s16 =	simm.s32 @!p1 $0x40  }
0x26: {  	[tilespmem:s15], [sflag:$0x1] =	stream.strided.gather @!p1 [hbm4b:s14+s16], $0x2000, s17, s16, $0x38;
	[tilespmem:$0x8080] =	vst v63  }
0x27: {  	p1 =	sge.u32 s31, s5  }
.Ltmp2:
0x28: {  	_ = 	snop;
	(pc) =	sbr.rel @p1 .LBB1_5-.Ltmp2, $1  }
0x29: {  	_ =	sdelay $0x3  }
0x2a: {  	s14 =	simm.s32 $0x1  }
0x2b: {  	_ =	swait.ge [sflag:s4], $0x2000;
	s14 =	simm.s32 @!p0 $0x0  }
0x2c: {  	[sflag:s4] =	ssyncset.done $0x0;
	s15 =	sshll.u32 s14, $0xD  }
0x2d: {  	[sflag:s4] =	ssyncadd.s32 $0xFFFFE000;
	s18 =	sor.u32 $0x20, s15  }
0x2e: {  	s14 =	smul.u32 $0x8100, s14;
	v3 =	vld [tilespmem:s18+$0x10]  }
0x2f: {  	s30 =	sand.u32 $0x1, s11;
	v2 =	vld [tilespmem:s18+$0xFFFFFFF0]  }
0x30: {  	s15 =	smul.u32 $0x8100, s30;
	s14 =	sshrl.u32 s14, $0x2;
	v0 =	vld [tilespmem:s18+$0x0]  }
0x31: {  	v1 =	vld [tilespmem:s18+$0xFFFFFFE0];
	s16 =	sor.u32 $0x4000, s14  }
0x32: {  	s31 =	sshrl.u32 s15, $0x2;
	s15 =	sadd.s32 $0x0, s16  }
0x33: {  	s17 =	simm.s32 $0x4;
	s18 =	sadd.s32 $0x40, s18;
	s14 =	sor.u32 $0x4000, s31;
	[tilespmem:s15+$0x1830 ss:$0x81] =	vst.msk $0xffff, v3  }
.LBB1_3:
0x34: {  	v3 =	vld [tilespmem:s18+$0x10];
	p1 =	sne.s32 s17, $0x1FC;
	[tilespmem:s15+$0x810 ss:$0x81] =	vst.msk $0xffff, v2;
	s19 =	smov.u32 s17;
	s17 =	sadd.s32 $0x4, s17  }
.Ltmp3:
0x35: {  	v2 =	vld [tilespmem:s18+$0xFFFFFFF0];
	[tilespmem:s15+$0x1020 ss:$0x81] =	vst.msk $0xffff, v0;
	(pc) =	sbr.rel @p1 .LBB1_3-.Ltmp3, $4  }
0x36: {  	v0 =	vld [tilespmem:s18+$0x0];
	[tilespmem:s15+$0x0 ss:$0x81] =	vst.msk $0xffff, v1  }
0x37: {  	s15 =	sshra.s32 s19, $0x2;
	v1 =	vld [tilespmem:s18+$0xFFFFFFE0]  }
0x38: {  	s15 =	sadd.s32 s15, s16  }
0x39: {  	s18 =	sadd.s32 $0x40, s18;
	[tilespmem:s15+$0x1830 ss:$0x81] =	vst.msk $0xffff, v3  }
.Ltmp4:
0x3a: {  	_ = 	snop;
	(pc) =	sbr.rel .LBB1_4-.Ltmp4, $1  }
0x3b: {  	_ =	sdelay $0x3  }
.LBB1_6:
0x3c: {  	_ =	sfence.sel $0x180000  }
0x3d: {  	s2 =	simm.s32 $0x1;
	[bflag:$0x0] =	sbarrier.arrive $0xFFFF  }
0x3e: {  	s31 =	simm.s32 $0x2;
	[sflag:s2] =	ssyncpa.u1 $0x1  }
0x3f: {  	[sflag:s31] =	ssyncpa.u1 $0x1  }
0x40: {  	p0 =	sne.s32 s0, $0x0;
	_ =	strace $0x9000004A  }
0x41: {  	s0 =	sadd.s32 @!p0 $0x100000, s1;
	[bflag:$0x2] =	sbarrier.arrive $0xFFFF  }
0x42: {  	[sflag:s0] =	ssyncadd.tile.s32 @!p0 $0x1;
	_ =	shalt  }
.Lfunc_end1:
_tile_overlayer_lowered:
.L_overlay_start_2:
0x43: {  	(tag) =	ssettag $0x2  }
0x44: {  	s0 =	rddreg [dreg:$0x0];
	s2 =	stileid.u32  }
0x45: {  	s1 =	rddreg [dreg:$0x1];
	p0 =	sne.s32 s2, $0x0  }
0x46: {  	s3 =	rddreg [dreg:$0x2];
	[bflag:$0x3] =	sbarrier.arrive $0xFFFF;
	s2 =	simm.s32 @!p0 $0x1C01  }
0x47: {  	[timem:s3], [sflag:s2] =	dma.local @!p0 [hbm:s0], s1  }
0x48: {  	s0 =	simm.s32 @!p0 $0x1  }
0x49: {  	_ =	swait.ge @!p0 [sflag:s0], s1  }
0x4a: {  	s1 =	ssub.s32 @!p0 $0x0, s1;
	[sflag:s0] =	ssyncset.done @!p0 $0x0  }
0x4b: {  	[sflag:s0] =	ssyncadd.s32 @!p0 s1  }
0x4c: {  	[bflag:$0x3] =	sbarrier.arrive $0xFFFF  }
0x4d: {  	_ =	shalt  }

</sc_bundles>
